<compile_context>
chip_gen: v7x
topology: tpu7x:2x2x1
jax: 0.10.2.dev20260603
libtpu: 0.0.44.dev20260713+nightly
codegen_flags: <defaults>
</compile_context>

<pallas_src>
import functools

import jax
import jax.numpy as jnp
from jax import lax
from jax.experimental import pallas as pl
from jax.experimental.pallas import tpu as pltpu
from jax.experimental.pallas import tpu_sc as plsc

LANES = 16
GROUP = 64
NB = 5
NC, NS = 2, 16
NW = NC * NS


def _combo_body(seg_ref, pos_ref, out_ref):
    S = seg_ref.shape[0]
    L = pos_ref.shape[0]
    for s in range(S):
        out_ref[s * L:(s + 1) * L, :] = pos_ref[...] + seg_ref[s:s + 1, :]


def _build_combo(segment_table, position_table):
    S, H = segment_table.shape
    L = position_table.shape[0]
    return pl.pallas_call(
        _combo_body,
        out_shape=jax.ShapeDtypeStruct((S * L, H), jnp.float32),
    )(segment_table, position_table)


def _sc_embed(xf, segf, token_table, combo, L, H, gpw):
    N = NW * gpw * GROUP
    n_outer = gpw // NB
    mesh = plsc.VectorSubcoreMesh(core_axis_name="c", subcore_axis_name="s")

    @functools.partial(
        pl.kernel,
        mesh=mesh,
        out_type=jax.ShapeDtypeStruct((N, H), jnp.float32),
        scratch_types=[
            pltpu.VMEM((gpw, GROUP), jnp.int32),
            pltpu.VMEM((gpw, GROUP), jnp.int32),
        ] + [pltpu.VMEM((GROUP, H), jnp.float32)] * NB
          + [pltpu.SemaphoreType.DMA] * NB,
    )
    def k(xf_hbm, segf_hbm, tok_hbm, combo_hbm, out_hbm, idx_v, cidx_v, *rest):
        bufs = rest[:NB]
        sems = rest[NB:]
        wid = lax.axis_index("s") * NC + lax.axis_index("c")
        gbase = wid * gpw
        pltpu.sync_copy(xf_hbm.at[wid], idx_v)
        pltpu.sync_copy(segf_hbm.at[wid], cidx_v)

        iota = lax.iota(jnp.int32, LANES)

        def cidx_body(r, carry):
            row0 = (gbase + r) * GROUP
            for j in range(GROUP // LANES):
                sl = pl.ds(j * LANES, LANES)
                p = lax.rem(row0 + j * LANES + iota, L)
                cidx_v[r, sl] = cidx_v[r, sl] * L + p
            return carry

        lax.fori_loop(0, gpw, cidx_body, 0)

        def issue_c(b, g):
            pltpu.async_copy(combo_hbm.at[cidx_v.at[g]], bufs[b], sems[b])

        def issue_t(b, g):
            pltpu.async_copy(tok_hbm.at[idx_v.at[g]], bufs[b], sems[b], add=True)

        def issue_s(b, g):
            pltpu.async_copy(bufs[b], out_hbm.at[pl.ds((gbase + g) * GROUP, GROUP)],
                             sems[b])

        def wait_gather(b):
            pltpu.make_async_copy(combo_hbm.at[pl.ds(0, GROUP)], bufs[b],
                                  sems[b]).wait()

        def wait_store(b):
            pltpu.make_async_copy(bufs[b], out_hbm.at[pl.ds(0, GROUP)],
                                  sems[b]).wait()

        def slot(b, g, first_ring):
            if not first_ring:
                wait_store(b)
            issue_c(b, g)
            if (not first_ring) or b >= 1:
                b1 = (b - 1) % NB
                wait_gather(b1)
                issue_t(b1, g - 1)
            if (not first_ring) or b >= 2:
                b2 = (b - 2) % NB
                wait_gather(b2)
                issue_s(b2, g - 2)

        for b in range(NB):
            slot(b, b, True)

        def outer_body(o, carry):
            g0 = o * NB
            for b in range(NB):
                slot(b, g0 + b, False)
            return carry

        lax.fori_loop(1, n_outer, outer_body, 0)

        b_last = (gpw - 1) % NB
        b_prev = (gpw - 2) % NB
        wait_gather(b_last)
        issue_t(b_last, gpw - 1)
        wait_gather(b_prev)
        issue_s(b_prev, gpw - 2)
        wait_gather(b_last)
        issue_s(b_last, gpw - 1)
        for b in range(NB):
            wait_store(b)

    return k(xf, segf, token_table, combo)


def kernel(x, segment_ids, token_table, segment_table, position_table):
    B, L = x.shape
    V, H = token_table.shape
    N = B * L
    assert N % (NW * GROUP) == 0
    gpw = N // (NW * GROUP)
    assert gpw % NB == 0

    combo = _build_combo(segment_table, position_table)
    xf = x.reshape(NW, gpw, GROUP)
    segf = segment_ids.reshape(NW, gpw, GROUP)
    out = _sc_embed(xf, segf, token_table, combo, L, H, gpw)
    return out.reshape(B, L, H)

# --- scband reference (transcript-rebuilt; emitter-appended) ---
"""Pipeline reference for scband-bert-embeddings-8839042695779 (READ-ONLY COPY).

The authoritative reference and input builder live on the scoring server;
editing this copy changes nothing except your own understanding.
"""

import jax, jax.numpy as jnp
import numpy as np

VOCAB = 100000
HIDDEN = 128
N_SEG = 2
MAX_LEN = 200
BATCH = 1024


def setup_inputs(seed: int = 0) -> dict:
    key = jax.random.key(seed)
    k1, k2, k3, k4, k5 = jax.random.split(key, 5)
    x = jax.random.randint(k1, (BATCH, MAX_LEN), 0, VOCAB, dtype=jnp.int64 if jax.config.jax_enable_x64 else jnp.int32).astype(jnp.int32)
    segment_ids = jax.random.randint(k2, (BATCH, MAX_LEN), 0, N_SEG).astype(jnp.int32)
    token_table = jax.random.normal(k3, (VOCAB, HIDDEN), dtype=jnp.float32)
    segment_table = jax.random.normal(k4, (N_SEG, HIDDEN), dtype=jnp.float32)
    position_table = jax.random.normal(k5, (MAX_LEN, HIDDEN), dtype=jnp.float32)
    return {
        "x": x,
        "segment_ids": segment_ids,
        "token_table": token_table,
        "segment_table": segment_table,
        "position_table": position_table,
    }


def reference(x, segment_ids, token_table, segment_table, position_table):
    # token embedding lookup: gather rows of token_table
    token_embeddings = jnp.take(token_table, x, axis=0)          # [B, L, H]
    # segment embedding lookup
    segment_embeddings = jnp.take(segment_table, segment_ids, axis=0)  # [B, L, H]
    # position embeddings: lookup with arange(max_sequence_length), broadcast over batch
    pos_input = jnp.arange(MAX_LEN)
    position_embeddings = jnp.take(position_table, pos_input, axis=0)  # [L, H]
    # dropout module is defined but not applied in the original forward
    return token_embeddings + segment_embeddings + position_embeddings[None, :, :]

if __name__ == "__main__":
    import jax
    _d = setup_inputs()
    print(jax.jit(kernel)(*tuple(_d.values())))

</pallas_src>

<mosaic_0001>
#map = affine_map<(d0, d1) -> (0, 0, 0)>
#map1 = affine_map<(d0, d1) -> (0, 0)>
module attributes {stable_mosaic.version = 14 : i64} {
  func.func @k(%arg0: i32, %arg1: i32, %arg2: memref<32x100x64xi32, #tpu.memory_space<hbm>>, %arg3: memref<32x100x64xi32, #tpu.memory_space<hbm>>, %arg4: memref<100000x128xf32, #tpu.memory_space<hbm>>, %arg5: memref<400x128xf32, #tpu.memory_space<hbm>>, %arg6: memref<204800x128xf32, #tpu.memory_space<hbm>>, %arg7: memref<100x64xi32, #tpu.memory_space<vmem>>, %arg8: memref<100x64xi32, #tpu.memory_space<vmem>>, %arg9: memref<64x128xf32, #tpu.memory_space<vmem>>, %arg10: memref<64x128xf32, #tpu.memory_space<vmem>>, %arg11: memref<64x128xf32, #tpu.memory_space<vmem>>, %arg12: memref<64x128xf32, #tpu.memory_space<vmem>>, %arg13: memref<64x128xf32, #tpu.memory_space<vmem>>, %arg14: memref<!tpu.dma_semaphore, #tpu.memory_space<semaphore_mem>>, %arg15: memref<!tpu.dma_semaphore, #tpu.memory_space<semaphore_mem>>, %arg16: memref<!tpu.dma_semaphore, #tpu.memory_space<semaphore_mem>>, %arg17: memref<!tpu.dma_semaphore, #tpu.memory_space<semaphore_mem>>, %arg18: memref<!tpu.dma_semaphore, #tpu.memory_space<semaphore_mem>>) attributes {dimension_semantics = [#tpu.dimension_semantics<core_parallel>, #tpu.dimension_semantics<subcore_parallel>], iteration_bounds = array<i64: 2, 16>, scalar_prefetch = 0 : i64, scratch_operands = 12 : i64, tpu.core_type = #tpu.core_type<sc_vector_subcore>, window_params = [{transform_indices = #map}, {transform_indices = #map}, {transform_indices = #map1}, {transform_indices = #map1}, {transform_indices = #map1}]} {
    %mul3A = arith.constant 2 : i32
    %mul3A_0 = arith.muli %arg1, %mul3A : i32
    %add3A = arith.addi %mul3A_0, %arg0 : i32
    %mul3A_1 = arith.constant 100 : i32
    %mul3A_2 = arith.muli %add3A, %mul3A_1 : i32
    "tpu.region"() ({
      %run_scoped3A = tpu.sem_alloc : memref<!tpu.dma_semaphore, #tpu.memory_space<semaphore_mem>>
      %dma_start3A_212 = arith.constant 0 : i32
      %dma_start3A_213 = arith.constant 0 : i32
      %dma_start3A_214 = tpu.memref_slice %arg2[%add3A, %dma_start3A_212, %dma_start3A_213] : memref<32x100x64xi32, #tpu.memory_space<hbm>> -> memref<1x100x64xi32, #tpu.memory_space<hbm>>
      %dma_start3A_215 = tpu.memref_squeeze %dma_start3A_214 : memref<1x100x64xi32, #tpu.memory_space<hbm>> -> memref<100x64xi32, #tpu.memory_space<hbm>>
      %dma_start3A_216 = arith.constant 0 : i32
      %dma_start3A_217 = arith.constant 0 : i32
      %dma_start3A_218 = tpu.memref_slice %arg2[%add3A, %dma_start3A_216, %dma_start3A_217] : memref<32x100x64xi32, #tpu.memory_space<hbm>> -> memref<1x100x64xi32, #tpu.memory_space<hbm>>
      %dma_start3A_219 = tpu.memref_squeeze %dma_start3A_218 : memref<1x100x64xi32, #tpu.memory_space<hbm>> -> memref<100x64xi32, #tpu.memory_space<hbm>>
      tpu.enqueue_dma source(%dma_start3A_219 : memref<100x64xi32, #tpu.memory_space<hbm>>) target(%arg7 : memref<100x64xi32, #tpu.memory_space<vmem>>) target_semaphore(%run_scoped3A : memref<!tpu.dma_semaphore, #tpu.memory_space<semaphore_mem>>)
      %dma_wait3A_220 = arith.constant 0 : i32
      %dma_wait3A_221 = arith.constant 0 : i32
      %dma_wait3A_222 = tpu.memref_slice %arg2[%add3A, %dma_wait3A_220, %dma_wait3A_221] : memref<32x100x64xi32, #tpu.memory_space<hbm>> -> memref<1x100x64xi32, #tpu.memory_space<hbm>>
      %dma_wait3A_223 = tpu.memref_squeeze %dma_wait3A_222 : memref<1x100x64xi32, #tpu.memory_space<hbm>> -> memref<100x64xi32, #tpu.memory_space<hbm>>
      %dma_wait3A_224 = arith.constant 0 : i32
      %dma_wait3A_225 = arith.constant 0 : i32
      %dma_wait3A_226 = tpu.memref_slice %arg2[%add3A, %dma_wait3A_224, %dma_wait3A_225] : memref<32x100x64xi32, #tpu.memory_space<hbm>> -> memref<1x100x64xi32, #tpu.memory_space<hbm>>
      %dma_wait3A_227 = tpu.memref_squeeze %dma_wait3A_226 : memref<1x100x64xi32, #tpu.memory_space<hbm>> -> memref<100x64xi32, #tpu.memory_space<hbm>>
      tpu.wait_dma2 semaphore(%run_scoped3A : memref<!tpu.dma_semaphore, #tpu.memory_space<semaphore_mem>>) src(%dma_wait3A_227 : memref<100x64xi32, #tpu.memory_space<hbm>>) dst(%arg7 : memref<100x64xi32, #tpu.memory_space<vmem>>)
      tpu.yield
    }) : () -> ()
    "tpu.region"() ({
      %run_scoped3A = tpu.sem_alloc : memref<!tpu.dma_semaphore, #tpu.memory_space<semaphore_mem>>
      %dma_start3A_212 = arith.constant 0 : i32
      %dma_start3A_213 = arith.constant 0 : i32
      %dma_start3A_214 = tpu.memref_slice %arg3[%add3A, %dma_start3A_212, %dma_start3A_213] : memref<32x100x64xi32, #tpu.memory_space<hbm>> -> memref<1x100x64xi32, #tpu.memory_space<hbm>>
      %dma_start3A_215 = tpu.memref_squeeze %dma_start3A_214 : memref<1x100x64xi32, #tpu.memory_space<hbm>> -> memref<100x64xi32, #tpu.memory_space<hbm>>
      %dma_start3A_216 = arith.constant 0 : i32
      %dma_start3A_217 = arith.constant 0 : i32
      %dma_start3A_218 = tpu.memref_slice %arg3[%add3A, %dma_start3A_216, %dma_start3A_217] : memref<32x100x64xi32, #tpu.memory_space<hbm>> -> memref<1x100x64xi32, #tpu.memory_space<hbm>>
      %dma_start3A_219 = tpu.memref_squeeze %dma_start3A_218 : memref<1x100x64xi32, #tpu.memory_space<hbm>> -> memref<100x64xi32, #tpu.memory_space<hbm>>
      tpu.enqueue_dma source(%dma_start3A_219 : memref<100x64xi32, #tpu.memory_space<hbm>>) target(%arg8 : memref<100x64xi32, #tpu.memory_space<vmem>>) target_semaphore(%run_scoped3A : memref<!tpu.dma_semaphore, #tpu.memory_space<semaphore_mem>>)
      %dma_wait3A_220 = arith.constant 0 : i32
      %dma_wait3A_221 = arith.constant 0 : i32
      %dma_wait3A_222 = tpu.memref_slice %arg3[%add3A, %dma_wait3A_220, %dma_wait3A_221] : memref<32x100x64xi32, #tpu.memory_space<hbm>> -> memref<1x100x64xi32, #tpu.memory_space<hbm>>
      %dma_wait3A_223 = tpu.memref_squeeze %dma_wait3A_222 : memref<1x100x64xi32, #tpu.memory_space<hbm>> -> memref<100x64xi32, #tpu.memory_space<hbm>>
      %dma_wait3A_224 = arith.constant 0 : i32
      %dma_wait3A_225 = arith.constant 0 : i32
      %dma_wait3A_226 = tpu.memref_slice %arg3[%add3A, %dma_wait3A_224, %dma_wait3A_225] : memref<32x100x64xi32, #tpu.memory_space<hbm>> -> memref<1x100x64xi32, #tpu.memory_space<hbm>>
      %dma_wait3A_227 = tpu.memref_squeeze %dma_wait3A_226 : memref<1x100x64xi32, #tpu.memory_space<hbm>> -> memref<100x64xi32, #tpu.memory_space<hbm>>
      tpu.wait_dma2 semaphore(%run_scoped3A : memref<!tpu.dma_semaphore, #tpu.memory_space<semaphore_mem>>) src(%dma_wait3A_227 : memref<100x64xi32, #tpu.memory_space<hbm>>) dst(%arg8 : memref<100x64xi32, #tpu.memory_space<vmem>>)
      tpu.yield
    }) : () -> ()
    %iota3A = tpu.iota {dimensions = array<i32: 0>} : vector<16xi32>
    %scan3A = arith.constant 0 : i32
    %scan3A_3 = arith.constant 0 : i32
    %scan3A_4 = arith.constant 100 : i32
    %scan3A_5 = arith.addi %scan3A_3, %scan3A_4 : i32
    %scan3A_6 = arith.constant 1 : i32
    scf.for %scan3A_212 = %scan3A_3 to %scan3A_5 step %scan3A_6  : i32 {
      %add3A_213 = arith.addi %mul3A_2, %scan3A_212 : i32
      %mul3A_214 = arith.constant 64 : i32
      %mul3A_215 = arith.muli %add3A_213, %mul3A_214 : i32
      %add3A_216 = arith.constant 0 : i32
      %add3A_217 = arith.addi %mul3A_215, %add3A_216 : i32
      %add3A_218 = vector.broadcast %add3A_217 : i32 to vector<16xi32>
      %add3A_219 = arith.addi %add3A_218, %iota3A : vector<16xi32>
      %rem3A = arith.constant 200 : i32
      %rem3A_220 = vector.broadcast %rem3A : i32 to vector<16xi32>
      %rem3A_221 = arith.remsi %add3A_219, %rem3A_220 : vector<16xi32>
      %get3A = arith.index_cast %scan3A_212 : i32 to index
      %get3A_222 = arith.constant 0 : index
      %get3A_223 = tpu.vector_load %arg8[%get3A, %get3A_222] {strides = array<i32>} : memref<100x64xi32, #tpu.memory_space<vmem>>, vector<1x16xi32>,
      %get3A_224 = vector.shape_cast %get3A_223 : vector<1x16xi32> to vector<16xi32>
      %mul3A_225 = arith.constant 200 : i32
      %mul3A_226 = vector.broadcast %mul3A_225 : i32 to vector<16xi32>
      %mul3A_227 = arith.muli %get3A_224, %mul3A_226 : vector<16xi32>
      %add3A_228 = arith.addi %mul3A_227, %rem3A_221 : vector<16xi32>
      %swap3A = arith.index_cast %scan3A_212 : i32 to index
      %swap3A_229 = arith.constant 0 : index
      %swap3A_230 = tpu.vector_load %arg8[%swap3A, %swap3A_229] {strides = array<i32>} : memref<100x64xi32, #tpu.memory_space<vmem>>, vector<1x16xi32>,
      %swap3A_231 = vector.shape_cast %swap3A_230 : vector<1x16xi32> to vector<16xi32>
      %swap3A_232 = vector.shape_cast %add3A_228 : vector<16xi32> to vector<1x16xi32>
      tpu.vector_store %arg8[%swap3A, %swap3A_229], %swap3A_232 {strides = array<i32>} : memref<100x64xi32, #tpu.memory_space<vmem>>, vector<1x16xi32>,
      %add3A_233 = arith.constant 16 : i32
      %add3A_234 = arith.addi %mul3A_215, %add3A_233 : i32
      %add3A_235 = vector.broadcast %add3A_234 : i32 to vector<16xi32>
      %add3A_236 = arith.addi %add3A_235, %iota3A : vector<16xi32>
      %rem3A_237 = arith.constant 200 : i32
      %rem3A_238 = vector.broadcast %rem3A_237 : i32 to vector<16xi32>
      %rem3A_239 = arith.remsi %add3A_236, %rem3A_238 : vector<16xi32>
      %get3A_240 = arith.index_cast %scan3A_212 : i32 to index
      %get3A_241 = arith.constant 16 : index
      %get3A_242 = tpu.vector_load %arg8[%get3A_240, %get3A_241] {strides = array<i32>} : memref<100x64xi32, #tpu.memory_space<vmem>>, vector<1x16xi32>,
      %get3A_243 = vector.shape_cast %get3A_242 : vector<1x16xi32> to vector<16xi32>
      %mul3A_244 = arith.constant 200 : i32
      %mul3A_245 = vector.broadcast %mul3A_244 : i32 to vector<16xi32>
      %mul3A_246 = arith.muli %get3A_243, %mul3A_245 : vector<16xi32>
      %add3A_247 = arith.addi %mul3A_246, %rem3A_239 : vector<16xi32>
      %swap3A_248 = arith.index_cast %scan3A_212 : i32 to index
      %swap3A_249 = arith.constant 16 : index
      %swap3A_250 = tpu.vector_load %arg8[%swap3A_248, %swap3A_249] {strides = array<i32>} : memref<100x64xi32, #tpu.memory_space<vmem>>, vector<1x16xi32>,
      %swap3A_251 = vector.shape_cast %swap3A_250 : vector<1x16xi32> to vector<16xi32>
      %swap3A_252 = vector.shape_cast %add3A_247 : vector<16xi32> to vector<1x16xi32>
      tpu.vector_store %arg8[%swap3A_248, %swap3A_249], %swap3A_252 {strides = array<i32>} : memref<100x64xi32, #tpu.memory_space<vmem>>, vector<1x16xi32>,
      %add3A_253 = arith.constant 32 : i32
      %add3A_254 = arith.addi %mul3A_215, %add3A_253 : i32
      %add3A_255 = vector.broadcast %add3A_254 : i32 to vector<16xi32>
      %add3A_256 = arith.addi %add3A_255, %iota3A : vector<16xi32>
      %rem3A_257 = arith.constant 200 : i32
      %rem3A_258 = vector.broadcast %rem3A_257 : i32 to vector<16xi32>
      %rem3A_259 = arith.remsi %add3A_256, %rem3A_258 : vector<16xi32>
      %get3A_260 = arith.index_cast %scan3A_212 : i32 to index
      %get3A_261 = arith.constant 32 : index
      %get3A_262 = tpu.vector_load %arg8[%get3A_260, %get3A_261] {strides = array<i32>} : memref<100x64xi32, #tpu.memory_space<vmem>>, vector<1x16xi32>,
      %get3A_263 = vector.shape_cast %get3A_262 : vector<1x16xi32> to vector<16xi32>
      %mul3A_264 = arith.constant 200 : i32
      %mul3A_265 = vector.broadcast %mul3A_264 : i32 to vector<16xi32>
      %mul3A_266 = arith.muli %get3A_263, %mul3A_265 : vector<16xi32>
      %add3A_267 = arith.addi %mul3A_266, %rem3A_259 : vector<16xi32>
      %swap3A_268 = arith.index_cast %scan3A_212 : i32 to index
      %swap3A_269 = arith.constant 32 : index
      %swap3A_270 = tpu.vector_load %arg8[%swap3A_268, %swap3A_269] {strides = array<i32>} : memref<100x64xi32, #tpu.memory_space<vmem>>, vector<1x16xi32>,
      %swap3A_271 = vector.shape_cast %swap3A_270 : vector<1x16xi32> to vector<16xi32>
      %swap3A_272 = vector.shape_cast %add3A_267 : vector<16xi32> to vector<1x16xi32>
      tpu.vector_store %arg8[%swap3A_268, %swap3A_269], %swap3A_272 {strides = array<i32>} : memref<100x64xi32, #tpu.memory_space<vmem>>, vector<1x16xi32>,
      %add3A_273 = arith.constant 48 : i32
      %add3A_274 = arith.addi %mul3A_215, %add3A_273 : i32
      %add3A_275 = vector.broadcast %add3A_274 : i32 to vector<16xi32>
      %add3A_276 = arith.addi %add3A_275, %iota3A : vector<16xi32>
      %rem3A_277 = arith.constant 200 : i32
      %rem3A_278 = vector.broadcast %rem3A_277 : i32 to vector<16xi32>
      %rem3A_279 = arith.remsi %add3A_276, %rem3A_278 : vector<16xi32>
      %get3A_280 = arith.index_cast %scan3A_212 : i32 to index
      %get3A_281 = arith.constant 48 : index
      %get3A_282 = tpu.vector_load %arg8[%get3A_280, %get3A_281] {strides = array<i32>} : memref<100x64xi32, #tpu.memory_space<vmem>>, vector<1x16xi32>,
      %get3A_283 = vector.shape_cast %get3A_282 : vector<1x16xi32> to vector<16xi32>
      %mul3A_284 = arith.constant 200 : i32
      %mul3A_285 = vector.broadcast %mul3A_284 : i32 to vector<16xi32>
      %mul3A_286 = arith.muli %get3A_283, %mul3A_285 : vector<16xi32>
      %add3A_287 = arith.addi %mul3A_286, %rem3A_279 : vector<16xi32>
      %swap3A_288 = arith.index_cast %scan3A_212 : i32 to index
      %swap3A_289 = arith.constant 48 : index
      %swap3A_290 = tpu.vector_load %arg8[%swap3A_288, %swap3A_289] {strides = array<i32>} : memref<100x64xi32, #tpu.memory_space<vmem>>, vector<1x16xi32>,
      %swap3A_291 = vector.shape_cast %swap3A_290 : vector<1x16xi32> to vector<16xi32>
      %swap3A_292 = vector.shape_cast %add3A_287 : vector<16xi32> to vector<1x16xi32>
      tpu.vector_store %arg8[%swap3A_288, %swap3A_289], %swap3A_292 {strides = array<i32>} : memref<100x64xi32, #tpu.memory_space<vmem>>, vector<1x16xi32>,
    }
    %scan3A_7 = arith.constant 100 : i32
    %dma_start3A = arith.constant 0 : i32
    %dma_start3A_8 = arith.constant 0 : i32
    %dma_start3A_9 = tpu.memref_slice %arg8[%dma_start3A, %dma_start3A_8] : memref<100x64xi32, #tpu.memory_space<vmem>> -> memref<1x64xi32, #tpu.memory_space<vmem>>
    %dma_start3A_10 = tpu.memref_squeeze %dma_start3A_9 : memref<1x64xi32, #tpu.memory_space<vmem>> -> memref<64xi32, #tpu.memory_space<vmem>>
    %dma_start3A_11 = arith.constant 0 : i32
    %dma_start3A_12 = arith.constant 0 : i32
    %dma_start3A_13 = tpu.memref_slice %arg5[%dma_start3A_11, %dma_start3A_12] : memref<400x128xf32, #tpu.memory_space<hbm>> -> memref<400x128xf32, #tpu.memory_space<hbm>>
    tpu.enqueue_indirect_dma source(%dma_start3A_13 : memref<400x128xf32, #tpu.memory_space<hbm>>) target(%arg9 : memref<64x128xf32, #tpu.memory_space<vmem>>) offsets(%dma_start3A_10 : memref<64xi32, #tpu.memory_space<vmem>>) semaphore(%arg14 : memref<!tpu.dma_semaphore, #tpu.memory_space<semaphore_mem>>)
    %dma_start3A_14 = arith.constant 1 : i32
    %dma_start3A_15 = arith.constant 0 : i32
    %dma_start3A_16 = tpu.memref_slice %arg8[%dma_start3A_14, %dma_start3A_15] : memref<100x64xi32, #tpu.memory_space<vmem>> -> memref<1x64xi32, #tpu.memory_space<vmem>>
    %dma_start3A_17 = tpu.memref_squeeze %dma_start3A_16 : memref<1x64xi32, #tpu.memory_space<vmem>> -> memref<64xi32, #tpu.memory_space<vmem>>
    %dma_start3A_18 = arith.constant 0 : i32
    %dma_start3A_19 = arith.constant 0 : i32
    %dma_start3A_20 = tpu.memref_slice %arg5[%dma_start3A_18, %dma_start3A_19] : memref<400x128xf32, #tpu.memory_space<hbm>> -> memref<400x128xf32, #tpu.memory_space<hbm>>
    tpu.enqueue_indirect_dma source(%dma_start3A_20 : memref<400x128xf32, #tpu.memory_space<hbm>>) target(%arg10 : memref<64x128xf32, #tpu.memory_space<vmem>>) offsets(%dma_start3A_17 : memref<64xi32, #tpu.memory_space<vmem>>) semaphore(%arg15 : memref<!tpu.dma_semaphore, #tpu.memory_space<semaphore_mem>>)
    %dma_wait3A = arith.constant 0 : i32
    %dma_wait3A_21 = arith.constant 0 : i32
    %dma_wait3A_22 = tpu.memref_slice %arg5[%dma_wait3A, %dma_wait3A_21] : memref<400x128xf32, #tpu.memory_space<hbm>> -> memref<64x128xf32, #tpu.memory_space<hbm>>
    %dma_wait3A_23 = arith.constant 0 : i32
    %dma_wait3A_24 = arith.constant 0 : i32
    %dma_wait3A_25 = tpu.memref_slice %arg5[%dma_wait3A_23, %dma_wait3A_24] : memref<400x128xf32, #tpu.memory_space<hbm>> -> memref<64x128xf32, #tpu.memory_space<hbm>>
    tpu.wait_dma2 semaphore(%arg14 : memref<!tpu.dma_semaphore, #tpu.memory_space<semaphore_mem>>) src(%dma_wait3A_25 : memref<64x128xf32, #tpu.memory_space<hbm>>) dst(%arg9 : memref<64x128xf32, #tpu.memory_space<vmem>>)
    %dma_start3A_26 = arith.constant 0 : i32
    %dma_start3A_27 = arith.constant 0 : i32
    %dma_start3A_28 = tpu.memref_slice %arg7[%dma_start3A_26, %dma_start3A_27] : memref<100x64xi32, #tpu.memory_space<vmem>> -> memref<1x64xi32, #tpu.memory_space<vmem>>
    %dma_start3A_29 = tpu.memref_squeeze %dma_start3A_28 : memref<1x64xi32, #tpu.memory_space<vmem>> -> memref<64xi32, #tpu.memory_space<vmem>>
    %dma_start3A_30 = arith.constant 0 : i32
    %dma_start3A_31 = arith.constant 0 : i32
    %dma_start3A_32 = tpu.memref_slice %arg4[%dma_start3A_30, %dma_start3A_31] : memref<100000x128xf32, #tpu.memory_space<hbm>> -> memref<100000x128xf32, #tpu.memory_space<hbm>>
    tpu.enqueue_indirect_dma source(%dma_start3A_32 : memref<100000x128xf32, #tpu.memory_space<hbm>>) target(%arg9 : memref<64x128xf32, #tpu.memory_space<vmem>>) offsets(%dma_start3A_29 : memref<64xi32, #tpu.memory_space<vmem>>) semaphore(%arg14 : memref<!tpu.dma_semaphore, #tpu.memory_space<semaphore_mem>>) {add = true}
    %dma_start3A_33 = arith.constant 2 : i32
    %dma_start3A_34 = arith.constant 0 : i32
    %dma_start3A_35 = tpu.memref_slice %arg8[%dma_start3A_33, %dma_start3A_34] : memref<100x64xi32, #tpu.memory_space<vmem>> -> memref<1x64xi32, #tpu.memory_space<vmem>>
    %dma_start3A_36 = tpu.memref_squeeze %dma_start3A_35 : memref<1x64xi32, #tpu.memory_space<vmem>> -> memref<64xi32, #tpu.memory_space<vmem>>
    %dma_start3A_37 = arith.constant 0 : i32
    %dma_start3A_38 = arith.constant 0 : i32
    %dma_start3A_39 = tpu.memref_slice %arg5[%dma_start3A_37, %dma_start3A_38] : memref<400x128xf32, #tpu.memory_space<hbm>> -> memref<400x128xf32, #tpu.memory_space<hbm>>
    tpu.enqueue_indirect_dma source(%dma_start3A_39 : memref<400x128xf32, #tpu.memory_space<hbm>>) target(%arg11 : memref<64x128xf32, #tpu.memory_space<vmem>>) offsets(%dma_start3A_36 : memref<64xi32, #tpu.memory_space<vmem>>) semaphore(%arg16 : memref<!tpu.dma_semaphore, #tpu.memory_space<semaphore_mem>>)
    %dma_wait3A_40 = arith.constant 0 : i32
    %dma_wait3A_41 = arith.constant 0 : i32
    %dma_wait3A_42 = tpu.memref_slice %arg5[%dma_wait3A_40, %dma_wait3A_41] : memref<400x128xf32, #tpu.memory_space<hbm>> -> memref<64x128xf32, #tpu.memory_space<hbm>>
    %dma_wait3A_43 = arith.constant 0 : i32
    %dma_wait3A_44 = arith.constant 0 : i32
    %dma_wait3A_45 = tpu.memref_slice %arg5[%dma_wait3A_43, %dma_wait3A_44] : memref<400x128xf32, #tpu.memory_space<hbm>> -> memref<64x128xf32, #tpu.memory_space<hbm>>
    tpu.wait_dma2 semaphore(%arg15 : memref<!tpu.dma_semaphore, #tpu.memory_space<semaphore_mem>>) src(%dma_wait3A_45 : memref<64x128xf32, #tpu.memory_space<hbm>>) dst(%arg10 : memref<64x128xf32, #tpu.memory_space<vmem>>)
    %dma_start3A_46 = arith.constant 1 : i32
    %dma_start3A_47 = arith.constant 0 : i32
    %dma_start3A_48 = tpu.memref_slice %arg7[%dma_start3A_46, %dma_start3A_47] : memref<100x64xi32, #tpu.memory_space<vmem>> -> memref<1x64xi32, #tpu.memory_space<vmem>>
    %dma_start3A_49 = tpu.memref_squeeze %dma_start3A_48 : memref<1x64xi32, #tpu.memory_space<vmem>> -> memref<64xi32, #tpu.memory_space<vmem>>
    %dma_start3A_50 = arith.constant 0 : i32
    %dma_start3A_51 = arith.constant 0 : i32
    %dma_start3A_52 = tpu.memref_slice %arg4[%dma_start3A_50, %dma_start3A_51] : memref<100000x128xf32, #tpu.memory_space<hbm>> -> memref<100000x128xf32, #tpu.memory_space<hbm>>
    tpu.enqueue_indirect_dma source(%dma_start3A_52 : memref<100000x128xf32, #tpu.memory_space<hbm>>) target(%arg10 : memref<64x128xf32, #tpu.memory_space<vmem>>) offsets(%dma_start3A_49 : memref<64xi32, #tpu.memory_space<vmem>>) semaphore(%arg15 : memref<!tpu.dma_semaphore, #tpu.memory_space<semaphore_mem>>) {add = true}
    %dma_wait3A_53 = arith.constant 0 : i32
    %dma_wait3A_54 = arith.constant 0 : i32
    %dma_wait3A_55 = tpu.memref_slice %arg5[%dma_wait3A_53, %dma_wait3A_54] : memref<400x128xf32, #tpu.memory_space<hbm>> -> memref<64x128xf32, #tpu.memory_space<hbm>>
    %dma_wait3A_56 = arith.constant 0 : i32
    %dma_wait3A_57 = arith.constant 0 : i32
    %dma_wait3A_58 = tpu.memref_slice %arg5[%dma_wait3A_56, %dma_wait3A_57] : memref<400x128xf32, #tpu.memory_space<hbm>> -> memref<64x128xf32, #tpu.memory_space<hbm>>
    tpu.wait_dma2 semaphore(%arg14 : memref<!tpu.dma_semaphore, #tpu.memory_space<semaphore_mem>>) src(%dma_wait3A_58 : memref<64x128xf32, #tpu.memory_space<hbm>>) dst(%arg9 : memref<64x128xf32, #tpu.memory_space<vmem>>)
    %add3A_59 = arith.constant 0 : i32
    %add3A_60 = arith.addi %mul3A_2, %add3A_59 : i32
    %mul3A_61 = arith.constant 64 : i32
    %mul3A_62 = arith.muli %add3A_60, %mul3A_61 : i32
    %dma_start3A_63 = arith.constant 0 : i32
    %dma_start3A_64 = tpu.memref_slice %arg6[%mul3A_62, %dma_start3A_63] : memref<204800x128xf32, #tpu.memory_space<hbm>> -> memref<64x128xf32, #tpu.memory_space<hbm>>
    %dma_start3A_65 = arith.constant 0 : i32
    %dma_start3A_66 = tpu.memref_slice %arg6[%mul3A_62, %dma_start3A_65] : memref<204800x128xf32, #tpu.memory_space<hbm>> -> memref<64x128xf32, #tpu.memory_space<hbm>>
    tpu.enqueue_dma source(%arg9 : memref<64x128xf32, #tpu.memory_space<vmem>>) target(%dma_start3A_66 : memref<64x128xf32, #tpu.memory_space<hbm>>) target_semaphore(%arg14 : memref<!tpu.dma_semaphore, #tpu.memory_space<semaphore_mem>>)
    %dma_start3A_67 = arith.constant 3 : i32
    %dma_start3A_68 = arith.constant 0 : i32
    %dma_start3A_69 = tpu.memref_slice %arg8[%dma_start3A_67, %dma_start3A_68] : memref<100x64xi32, #tpu.memory_space<vmem>> -> memref<1x64xi32, #tpu.memory_space<vmem>>
    %dma_start3A_70 = tpu.memref_squeeze %dma_start3A_69 : memref<1x64xi32, #tpu.memory_space<vmem>> -> memref<64xi32, #tpu.memory_space<vmem>>
    %dma_start3A_71 = arith.constant 0 : i32
    %dma_start3A_72 = arith.constant 0 : i32
    %dma_start3A_73 = tpu.memref_slice %arg5[%dma_start3A_71, %dma_start3A_72] : memref<400x128xf32, #tpu.memory_space<hbm>> -> memref<400x128xf32, #tpu.memory_space<hbm>>
    tpu.enqueue_indirect_dma source(%dma_start3A_73 : memref<400x128xf32, #tpu.memory_space<hbm>>) target(%arg12 : memref<64x128xf32, #tpu.memory_space<vmem>>) offsets(%dma_start3A_70 : memref<64xi32, #tpu.memory_space<vmem>>) semaphore(%arg17 : memref<!tpu.dma_semaphore, #tpu.memory_space<semaphore_mem>>)
    %dma_wait3A_74 = arith.constant 0 : i32
    %dma_wait3A_75 = arith.constant 0 : i32
    %dma_wait3A_76 = tpu.memref_slice %arg5[%dma_wait3A_74, %dma_wait3A_75] : memref<400x128xf32, #tpu.memory_space<hbm>> -> memref<64x128xf32, #tpu.memory_space<hbm>>
    %dma_wait3A_77 = arith.constant 0 : i32
    %dma_wait3A_78 = arith.constant 0 : i32
    %dma_wait3A_79 = tpu.memref_slice %arg5[%dma_wait3A_77, %dma_wait3A_78] : memref<400x128xf32, #tpu.memory_space<hbm>> -> memref<64x128xf32, #tpu.memory_space<hbm>>
    tpu.wait_dma2 semaphore(%arg16 : memref<!tpu.dma_semaphore, #tpu.memory_space<semaphore_mem>>) src(%dma_wait3A_79 : memref<64x128xf32, #tpu.memory_space<hbm>>) dst(%arg11 : memref<64x128xf32, #tpu.memory_space<vmem>>)
    %dma_start3A_80 = arith.constant 2 : i32
    %dma_start3A_81 = arith.constant 0 : i32
    %dma_start3A_82 = tpu.memref_slice %arg7[%dma_start3A_80, %dma_start3A_81] : memref<100x64xi32, #tpu.memory_space<vmem>> -> memref<1x64xi32, #tpu.memory_space<vmem>>
    %dma_start3A_83 = tpu.memref_squeeze %dma_start3A_82 : memref<1x64xi32, #tpu.memory_space<vmem>> -> memref<64xi32, #tpu.memory_space<vmem>>
    %dma_start3A_84 = arith.constant 0 : i32
    %dma_start3A_85 = arith.constant 0 : i32
    %dma_start3A_86 = tpu.memref_slice %arg4[%dma_start3A_84, %dma_start3A_85] : memref<100000x128xf32, #tpu.memory_space<hbm>> -> memref<100000x128xf32, #tpu.memory_space<hbm>>
    tpu.enqueue_indirect_dma source(%dma_start3A_86 : memref<100000x128xf32, #tpu.memory_space<hbm>>) target(%arg11 : memref<64x128xf32, #tpu.memory_space<vmem>>) offsets(%dma_start3A_83 : memref<64xi32, #tpu.memory_space<vmem>>) semaphore(%arg16 : memref<!tpu.dma_semaphore, #tpu.memory_space<semaphore_mem>>) {add = true}
    %dma_wait3A_87 = arith.constant 0 : i32
    %dma_wait3A_88 = arith.constant 0 : i32
    %dma_wait3A_89 = tpu.memref_slice %arg5[%dma_wait3A_87, %dma_wait3A_88] : memref<400x128xf32, #tpu.memory_space<hbm>> -> memref<64x128xf32, #tpu.memory_space<hbm>>
    %dma_wait3A_90 = arith.constant 0 : i32
    %dma_wait3A_91 = arith.constant 0 : i32
    %dma_wait3A_92 = tpu.memref_slice %arg5[%dma_wait3A_90, %dma_wait3A_91] : memref<400x128xf32, #tpu.memory_space<hbm>> -> memref<64x128xf32, #tpu.memory_space<hbm>>
    tpu.wait_dma2 semaphore(%arg15 : memref<!tpu.dma_semaphore, #tpu.memory_space<semaphore_mem>>) src(%dma_wait3A_92 : memref<64x128xf32, #tpu.memory_space<hbm>>) dst(%arg10 : memref<64x128xf32, #tpu.memory_space<vmem>>)
    %add3A_93 = arith.constant 1 : i32
    %add3A_94 = arith.addi %mul3A_2, %add3A_93 : i32
    %mul3A_95 = arith.constant 64 : i32
    %mul3A_96 = arith.muli %add3A_94, %mul3A_95 : i32
    %dma_start3A_97 = arith.constant 0 : i32
    %dma_start3A_98 = tpu.memref_slice %arg6[%mul3A_96, %dma_start3A_97] : memref<204800x128xf32, #tpu.memory_space<hbm>> -> memref<64x128xf32, #tpu.memory_space<hbm>>
    %dma_start3A_99 = arith.constant 0 : i32
    %dma_start3A_100 = tpu.memref_slice %arg6[%mul3A_96, %dma_start3A_99] : memref<204800x128xf32, #tpu.memory_space<hbm>> -> memref<64x128xf32, #tpu.memory_space<hbm>>
    tpu.enqueue_dma source(%arg10 : memref<64x128xf32, #tpu.memory_space<vmem>>) target(%dma_start3A_100 : memref<64x128xf32, #tpu.memory_space<hbm>>) target_semaphore(%arg15 : memref<!tpu.dma_semaphore, #tpu.memory_space<semaphore_mem>>)
    %dma_start3A_101 = arith.constant 4 : i32
    %dma_start3A_102 = arith.constant 0 : i32
    %dma_start3A_103 = tpu.memref_slice %arg8[%dma_start3A_101, %dma_start3A_102] : memref<100x64xi32, #tpu.memory_space<vmem>> -> memref<1x64xi32, #tpu.memory_space<vmem>>
    %dma_start3A_104 = tpu.memref_squeeze %dma_start3A_103 : memref<1x64xi32, #tpu.memory_space<vmem>> -> memref<64xi32, #tpu.memory_space<vmem>>
    %dma_start3A_105 = arith.constant 0 : i32
    %dma_start3A_106 = arith.constant 0 : i32
    %dma_start3A_107 = tpu.memref_slice %arg5[%dma_start3A_105, %dma_start3A_106] : memref<400x128xf32, #tpu.memory_space<hbm>> -> memref<400x128xf32, #tpu.memory_space<hbm>>
    tpu.enqueue_indirect_dma source(%dma_start3A_107 : memref<400x128xf32, #tpu.memory_space<hbm>>) target(%arg13 : memref<64x128xf32, #tpu.memory_space<vmem>>) offsets(%dma_start3A_104 : memref<64xi32, #tpu.memory_space<vmem>>) semaphore(%arg18 : memref<!tpu.dma_semaphore, #tpu.memory_space<semaphore_mem>>)
    %dma_wait3A_108 = arith.constant 0 : i32
    %dma_wait3A_109 = arith.constant 0 : i32
    %dma_wait3A_110 = tpu.memref_slice %arg5[%dma_wait3A_108, %dma_wait3A_109] : memref<400x128xf32, #tpu.memory_space<hbm>> -> memref<64x128xf32, #tpu.memory_space<hbm>>
    %dma_wait3A_111 = arith.constant 0 : i32
    %dma_wait3A_112 = arith.constant 0 : i32
    %dma_wait3A_113 = tpu.memref_slice %arg5[%dma_wait3A_111, %dma_wait3A_112] : memref<400x128xf32, #tpu.memory_space<hbm>> -> memref<64x128xf32, #tpu.memory_space<hbm>>
    tpu.wait_dma2 semaphore(%arg17 : memref<!tpu.dma_semaphore, #tpu.memory_space<semaphore_mem>>) src(%dma_wait3A_113 : memref<64x128xf32, #tpu.memory_space<hbm>>) dst(%arg12 : memref<64x128xf32, #tpu.memory_space<vmem>>)
    %dma_start3A_114 = arith.constant 3 : i32
    %dma_start3A_115 = arith.constant 0 : i32
    %dma_start3A_116 = tpu.memref_slice %arg7[%dma_start3A_114, %dma_start3A_115] : memref<100x64xi32, #tpu.memory_space<vmem>> -> memref<1x64xi32, #tpu.memory_space<vmem>>
    %dma_start3A_117 = tpu.memref_squeeze %dma_start3A_116 : memref<1x64xi32, #tpu.memory_space<vmem>> -> memref<64xi32, #tpu.memory_space<vmem>>
    %dma_start3A_118 = arith.constant 0 : i32
    %dma_start3A_119 = arith.constant 0 : i32
    %dma_start3A_120 = tpu.memref_slice %arg4[%dma_start3A_118, %dma_start3A_119] : memref<100000x128xf32, #tpu.memory_space<hbm>> -> memref<100000x128xf32, #tpu.memory_space<hbm>>
    tpu.enqueue_indirect_dma source(%dma_start3A_120 : memref<100000x128xf32, #tpu.memory_space<hbm>>) target(%arg12 : memref<64x128xf32, #tpu.memory_space<vmem>>) offsets(%dma_start3A_117 : memref<64xi32, #tpu.memory_space<vmem>>) semaphore(%arg17 : memref<!tpu.dma_semaphore, #tpu.memory_space<semaphore_mem>>) {add = true}
    %dma_wait3A_121 = arith.constant 0 : i32
    %dma_wait3A_122 = arith.constant 0 : i32
    %dma_wait3A_123 = tpu.memref_slice %arg5[%dma_wait3A_121, %dma_wait3A_122] : memref<400x128xf32, #tpu.memory_space<hbm>> -> memref<64x128xf32, #tpu.memory_space<hbm>>
    %dma_wait3A_124 = arith.constant 0 : i32
    %dma_wait3A_125 = arith.constant 0 : i32
    %dma_wait3A_126 = tpu.memref_slice %arg5[%dma_wait3A_124, %dma_wait3A_125] : memref<400x128xf32, #tpu.memory_space<hbm>> -> memref<64x128xf32, #tpu.memory_space<hbm>>
    tpu.wait_dma2 semaphore(%arg16 : memref<!tpu.dma_semaphore, #tpu.memory_space<semaphore_mem>>) src(%dma_wait3A_126 : memref<64x128xf32, #tpu.memory_space<hbm>>) dst(%arg11 : memref<64x128xf32, #tpu.memory_space<vmem>>)
    %add3A_127 = arith.constant 2 : i32
    %add3A_128 = arith.addi %mul3A_2, %add3A_127 : i32
    %mul3A_129 = arith.constant 64 : i32
    %mul3A_130 = arith.muli %add3A_128, %mul3A_129 : i32
    %dma_start3A_131 = arith.constant 0 : i32
    %dma_start3A_132 = tpu.memref_slice %arg6[%mul3A_130, %dma_start3A_131] : memref<204800x128xf32, #tpu.memory_space<hbm>> -> memref<64x128xf32, #tpu.memory_space<hbm>>
    %dma_start3A_133 = arith.constant 0 : i32
    %dma_start3A_134 = tpu.memref_slice %arg6[%mul3A_130, %dma_start3A_133] : memref<204800x128xf32, #tpu.memory_space<hbm>> -> memref<64x128xf32, #tpu.memory_space<hbm>>
    tpu.enqueue_dma source(%arg11 : memref<64x128xf32, #tpu.memory_space<vmem>>) target(%dma_start3A_134 : memref<64x128xf32, #tpu.memory_space<hbm>>) target_semaphore(%arg16 : memref<!tpu.dma_semaphore, #tpu.memory_space<semaphore_mem>>)
    %scan3A_135 = arith.constant 0 : i32
    %scan3A_136 = arith.constant 1 : i32
    %scan3A_137 = arith.constant 19 : i32
    %scan3A_138 = arith.addi %scan3A_136, %scan3A_137 : i32
    %scan3A_139 = arith.constant 1 : i32
    scf.for %scan3A_212 = %scan3A_136 to %scan3A_138 step %scan3A_139  : i32 {
      %mul3A_213 = arith.constant 5 : i32
      %mul3A_214 = arith.muli %scan3A_212, %mul3A_213 : i32
      %add3A_215 = arith.constant 0 : i32
      %add3A_216 = arith.addi %mul3A_214, %add3A_215 : i32
      %dma_wait3A_217 = arith.constant 0 : i32
      %dma_wait3A_218 = arith.constant 0 : i32
      %dma_wait3A_219 = tpu.memref_slice %arg6[%dma_wait3A_217, %dma_wait3A_218] : memref<204800x128xf32, #tpu.memory_space<hbm>> -> memref<64x128xf32, #tpu.memory_space<hbm>>
      %dma_wait3A_220 = arith.constant 0 : i32
      %dma_wait3A_221 = arith.constant 0 : i32
      %dma_wait3A_222 = tpu.memref_slice %arg6[%dma_wait3A_220, %dma_wait3A_221] : memref<204800x128xf32, #tpu.memory_space<hbm>> -> memref<64x128xf32, #tpu.memory_space<hbm>>
      tpu.wait_dma2 semaphore(%arg14 : memref<!tpu.dma_semaphore, #tpu.memory_space<semaphore_mem>>) src(%arg9 : memref<64x128xf32, #tpu.memory_space<vmem>>) dst(%dma_wait3A_222 : memref<64x128xf32, #tpu.memory_space<hbm>>)
      %dma_start3A_223 = arith.constant 0 : i32
      %dma_start3A_224 = tpu.memref_slice %arg8[%add3A_216, %dma_start3A_223] : memref<100x64xi32, #tpu.memory_space<vmem>> -> memref<1x64xi32, #tpu.memory_space<vmem>>
      %dma_start3A_225 = tpu.memref_squeeze %dma_start3A_224 : memref<1x64xi32, #tpu.memory_space<vmem>> -> memref<64xi32, #tpu.memory_space<vmem>>
      %dma_start3A_226 = arith.constant 0 : i32
      %dma_start3A_227 = arith.constant 0 : i32
      %dma_start3A_228 = tpu.memref_slice %arg5[%dma_start3A_226, %dma_start3A_227] : memref<400x128xf32, #tpu.memory_space<hbm>> -> memref<400x128xf32, #tpu.memory_space<hbm>>
      tpu.enqueue_indirect_dma source(%dma_start3A_228 : memref<400x128xf32, #tpu.memory_space<hbm>>) target(%arg9 : memref<64x128xf32, #tpu.memory_space<vmem>>) offsets(%dma_start3A_225 : memref<64xi32, #tpu.memory_space<vmem>>) semaphore(%arg14 : memref<!tpu.dma_semaphore, #tpu.memory_space<semaphore_mem>>)
      %dma_wait3A_229 = arith.constant 0 : i32
      %dma_wait3A_230 = arith.constant 0 : i32
      %dma_wait3A_231 = tpu.memref_slice %arg5[%dma_wait3A_229, %dma_wait3A_230] : memref<400x128xf32, #tpu.memory_space<hbm>> -> memref<64x128xf32, #tpu.memory_space<hbm>>
      %dma_wait3A_232 = arith.constant 0 : i32
      %dma_wait3A_233 = arith.constant 0 : i32
      %dma_wait3A_234 = tpu.memref_slice %arg5[%dma_wait3A_232, %dma_wait3A_233] : memref<400x128xf32, #tpu.memory_space<hbm>> -> memref<64x128xf32, #tpu.memory_space<hbm>>
      tpu.wait_dma2 semaphore(%arg18 : memref<!tpu.dma_semaphore, #tpu.memory_space<semaphore_mem>>) src(%dma_wait3A_234 : memref<64x128xf32, #tpu.memory_space<hbm>>) dst(%arg13 : memref<64x128xf32, #tpu.memory_space<vmem>>)
      %sub3A = arith.constant 1 : i32
      %sub3A_235 = arith.subi %add3A_216, %sub3A : i32
      %dma_start3A_236 = arith.constant 0 : i32
      %dma_start3A_237 = tpu.memref_slice %arg7[%sub3A_235, %dma_start3A_236] : memref<100x64xi32, #tpu.memory_space<vmem>> -> memref<1x64xi32, #tpu.memory_space<vmem>>
      %dma_start3A_238 = tpu.memref_squeeze %dma_start3A_237 : memref<1x64xi32, #tpu.memory_space<vmem>> -> memref<64xi32, #tpu.memory_space<vmem>>
      %dma_start3A_239 = arith.constant 0 : i32
      %dma_start3A_240 = arith.constant 0 : i32
      %dma_start3A_241 = tpu.memref_slice %arg4[%dma_start3A_239, %dma_start3A_240] : memref<100000x128xf32, #tpu.memory_space<hbm>> -> memref<100000x128xf32, #tpu.memory_space<hbm>>
      tpu.enqueue_indirect_dma source(%dma_start3A_241 : memref<100000x128xf32, #tpu.memory_space<hbm>>) target(%arg13 : memref<64x128xf32, #tpu.memory_space<vmem>>) offsets(%dma_start3A_238 : memref<64xi32, #tpu.memory_space<vmem>>) semaphore(%arg18 : memref<!tpu.dma_semaphore, #tpu.memory_space<semaphore_mem>>) {add = true}
      %dma_wait3A_242 = arith.constant 0 : i32
      %dma_wait3A_243 = arith.constant 0 : i32
      %dma_wait3A_244 = tpu.memref_slice %arg5[%dma_wait3A_242, %dma_wait3A_243] : memref<400x128xf32, #tpu.memory_space<hbm>> -> memref<64x128xf32, #tpu.memory_space<hbm>>
      %dma_wait3A_245 = arith.constant 0 : i32
      %dma_wait3A_246 = arith.constant 0 : i32
      %dma_wait3A_247 = tpu.memref_slice %arg5[%dma_wait3A_245, %dma_wait3A_246] : memref<400x128xf32, #tpu.memory_space<hbm>> -> memref<64x128xf32, #tpu.memory_space<hbm>>
      tpu.wait_dma2 semaphore(%arg17 : memref<!tpu.dma_semaphore, #tpu.memory_space<semaphore_mem>>) src(%dma_wait3A_247 : memref<64x128xf32, #tpu.memory_space<hbm>>) dst(%arg12 : memref<64x128xf32, #tpu.memory_space<vmem>>)
      %sub3A_248 = arith.constant 2 : i32
      %sub3A_249 = arith.subi %add3A_216, %sub3A_248 : i32
      %add3A_250 = arith.addi %mul3A_2, %sub3A_249 : i32
      %mul3A_251 = arith.constant 64 : i32
      %mul3A_252 = arith.muli %add3A_250, %mul3A_251 : i32
      %dma_start3A_253 = arith.constant 0 : i32
      %dma_start3A_254 = tpu.memref_slice %arg6[%mul3A_252, %dma_start3A_253] : memref<204800x128xf32, #tpu.memory_space<hbm>> -> memref<64x128xf32, #tpu.memory_space<hbm>>
      %dma_start3A_255 = arith.constant 0 : i32
      %dma_start3A_256 = tpu.memref_slice %arg6[%mul3A_252, %dma_start3A_255] : memref<204800x128xf32, #tpu.memory_space<hbm>> -> memref<64x128xf32, #tpu.memory_space<hbm>>
      tpu.enqueue_dma source(%arg12 : memref<64x128xf32, #tpu.memory_space<vmem>>) target(%dma_start3A_256 : memref<64x128xf32, #tpu.memory_space<hbm>>) target_semaphore(%arg17 : memref<!tpu.dma_semaphore, #tpu.memory_space<semaphore_mem>>)
      %add3A_257 = arith.constant 1 : i32
      %add3A_258 = arith.addi %mul3A_214, %add3A_257 : i32
      %dma_wait3A_259 = arith.constant 0 : i32
      %dma_wait3A_260 = arith.constant 0 : i32
      %dma_wait3A_261 = tpu.memref_slice %arg6[%dma_wait3A_259, %dma_wait3A_260] : memref<204800x128xf32, #tpu.memory_space<hbm>> -> memref<64x128xf32, #tpu.memory_space<hbm>>
      %dma_wait3A_262 = arith.constant 0 : i32
      %dma_wait3A_263 = arith.constant 0 : i32
      %dma_wait3A_264 = tpu.memref_slice %arg6[%dma_wait3A_262, %dma_wait3A_263] : memref<204800x128xf32, #tpu.memory_space<hbm>> -> memref<64x128xf32, #tpu.memory_space<hbm>>
      tpu.wait_dma2 semaphore(%arg15 : memref<!tpu.dma_semaphore, #tpu.memory_space<semaphore_mem>>) src(%arg10 : memref<64x128xf32, #tpu.memory_space<vmem>>) dst(%dma_wait3A_264 : memref<64x128xf32, #tpu.memory_space<hbm>>)
      %dma_start3A_265 = arith.constant 0 : i32
      %dma_start3A_266 = tpu.memref_slice %arg8[%add3A_258, %dma_start3A_265] : memref<100x64xi32, #tpu.memory_space<vmem>> -> memref<1x64xi32, #tpu.memory_space<vmem>>
      %dma_start3A_267 = tpu.memref_squeeze %dma_start3A_266 : memref<1x64xi32, #tpu.memory_space<vmem>> -> memref<64xi32, #tpu.memory_space<vmem>>
      %dma_start3A_268 = arith.constant 0 : i32
      %dma_start3A_269 = arith.constant 0 : i32
      %dma_start3A_270 = tpu.memref_slice %arg5[%dma_start3A_268, %dma_start3A_269] : memref<400x128xf32, #tpu.memory_space<hbm>> -> memref<400x128xf32, #tpu.memory_space<hbm>>
      tpu.enqueue_indirect_dma source(%dma_start3A_270 : memref<400x128xf32, #tpu.memory_space<hbm>>) target(%arg10 : memref<64x128xf32, #tpu.memory_space<vmem>>) offsets(%dma_start3A_267 : memref<64xi32, #tpu.memory_space<vmem>>) semaphore(%arg15 : memref<!tpu.dma_semaphore, #tpu.memory_space<semaphore_mem>>)
      %dma_wait3A_271 = arith.constant 0 : i32
      %dma_wait3A_272 = arith.constant 0 : i32
      %dma_wait3A_273 = tpu.memref_slice %arg5[%dma_wait3A_271, %dma_wait3A_272] : memref<400x128xf32, #tpu.memory_space<hbm>> -> memref<64x128xf32, #tpu.memory_space<hbm>>
      %dma_wait3A_274 = arith.constant 0 : i32
      %dma_wait3A_275 = arith.constant 0 : i32
      %dma_wait3A_276 = tpu.memref_slice %arg5[%dma_wait3A_274, %dma_wait3A_275] : memref<400x128xf32, #tpu.memory_space<hbm>> -> memref<64x128xf32, #tpu.memory_space<hbm>>
      tpu.wait_dma2 semaphore(%arg14 : memref<!tpu.dma_semaphore, #tpu.memory_space<semaphore_mem>>) src(%dma_wait3A_276 : memref<64x128xf32, #tpu.memory_space<hbm>>) dst(%arg9 : memref<64x128xf32, #tpu.memory_space<vmem>>)
      %sub3A_277 = arith.constant 1 : i32
      %sub3A_278 = arith.subi %add3A_258, %sub3A_277 : i32
      %dma_start3A_279 = arith.constant 0 : i32
      %dma_start3A_280 = tpu.memref_slice %arg7[%sub3A_278, %dma_start3A_279] : memref<100x64xi32, #tpu.memory_space<vmem>> -> memref<1x64xi32, #tpu.memory_space<vmem>>
      %dma_start3A_281 = tpu.memref_squeeze %dma_start3A_280 : memref<1x64xi32, #tpu.memory_space<vmem>> -> memref<64xi32, #tpu.memory_space<vmem>>
      %dma_start3A_282 = arith.constant 0 : i32
      %dma_start3A_283 = arith.constant 0 : i32
      %dma_start3A_284 = tpu.memref_slice %arg4[%dma_start3A_282, %dma_start3A_283] : memref<100000x128xf32, #tpu.memory_space<hbm>> -> memref<100000x128xf32, #tpu.memory_space<hbm>>
      tpu.enqueue_indirect_dma source(%dma_start3A_284 : memref<100000x128xf32, #tpu.memory_space<hbm>>) target(%arg9 : memref<64x128xf32, #tpu.memory_space<vmem>>) offsets(%dma_start3A_281 : memref<64xi32, #tpu.memory_space<vmem>>) semaphore(%arg14 : memref<!tpu.dma_semaphore, #tpu.memory_space<semaphore_mem>>) {add = true}
      %dma_wait3A_285 = arith.constant 0 : i32
      %dma_wait3A_286 = arith.constant 0 : i32
      %dma_wait3A_287 = tpu.memref_slice %arg5[%dma_wait3A_285, %dma_wait3A_286] : memref<400x128xf32, #tpu.memory_space<hbm>> -> memref<64x128xf32, #tpu.memory_space<hbm>>
      %dma_wait3A_288 = arith.constant 0 : i32
      %dma_wait3A_289 = arith.constant 0 : i32
      %dma_wait3A_290 = tpu.memref_slice %arg5[%dma_wait3A_288, %dma_wait3A_289] : memref<400x128xf32, #tpu.memory_space<hbm>> -> memref<64x128xf32, #tpu.memory_space<hbm>>
      tpu.wait_dma2 semaphore(%arg18 : memref<!tpu.dma_semaphore, #tpu.memory_space<semaphore_mem>>) src(%dma_wait3A_290 : memref<64x128xf32, #tpu.memory_space<hbm>>) dst(%arg13 : memref<64x128xf32, #tpu.memory_space<vmem>>)
      %sub3A_291 = arith.constant 2 : i32
      %sub3A_292 = arith.subi %add3A_258, %sub3A_291 : i32
      %add3A_293 = arith.addi %mul3A_2, %sub3A_292 : i32
      %mul3A_294 = arith.constant 64 : i32
      %mul3A_295 = arith.muli %add3A_293, %mul3A_294 : i32
      %dma_start3A_296 = arith.constant 0 : i32
      %dma_start3A_297 = tpu.memref_slice %arg6[%mul3A_295, %dma_start3A_296] : memref<204800x128xf32, #tpu.memory_space<hbm>> -> memref<64x128xf32, #tpu.memory_space<hbm>>
      %dma_start3A_298 = arith.constant 0 : i32
      %dma_start3A_299 = tpu.memref_slice %arg6[%mul3A_295, %dma_start3A_298] : memref<204800x128xf32, #tpu.memory_space<hbm>> -> memref<64x128xf32, #tpu.memory_space<hbm>>
      tpu.enqueue_dma source(%arg13 : memref<64x128xf32, #tpu.memory_space<vmem>>) target(%dma_start3A_299 : memref<64x128xf32, #tpu.memory_space<hbm>>) target_semaphore(%arg18 : memref<!tpu.dma_semaphore, #tpu.memory_space<semaphore_mem>>)
      %add3A_300 = arith.constant 2 : i32
      %add3A_301 = arith.addi %mul3A_214, %add3A_300 : i32
      %dma_wait3A_302 = arith.constant 0 : i32
      %dma_wait3A_303 = arith.constant 0 : i32
      %dma_wait3A_304 = tpu.memref_slice %arg6[%dma_wait3A_302, %dma_wait3A_303] : memref<204800x128xf32, #tpu.memory_space<hbm>> -> memref<64x128xf32, #tpu.memory_space<hbm>>
      %dma_wait3A_305 = arith.constant 0 : i32
      %dma_wait3A_306 = arith.constant 0 : i32
      %dma_wait3A_307 = tpu.memref_slice %arg6[%dma_wait3A_305, %dma_wait3A_306] : memref<204800x128xf32, #tpu.memory_space<hbm>> -> memref<64x128xf32, #tpu.memory_space<hbm>>
      tpu.wait_dma2 semaphore(%arg16 : memref<!tpu.dma_semaphore, #tpu.memory_space<semaphore_mem>>) src(%arg11 : memref<64x128xf32, #tpu.memory_space<vmem>>) dst(%dma_wait3A_307 : memref<64x128xf32, #tpu.memory_space<hbm>>)
      %dma_start3A_308 = arith.constant 0 : i32
      %dma_start3A_309 = tpu.memref_slice %arg8[%add3A_301, %dma_start3A_308] : memref<100x64xi32, #tpu.memory_space<vmem>> -> memref<1x64xi32, #tpu.memory_space<vmem>>
      %dma_start3A_310 = tpu.memref_squeeze %dma_start3A_309 : memref<1x64xi32, #tpu.memory_space<vmem>> -> memref<64xi32, #tpu.memory_space<vmem>>
      %dma_start3A_311 = arith.constant 0 : i32
      %dma_start3A_312 = arith.constant 0 : i32
      %dma_start3A_313 = tpu.memref_slice %arg5[%dma_start3A_311, %dma_start3A_312] : memref<400x128xf32, #tpu.memory_space<hbm>> -> memref<400x128xf32, #tpu.memory_space<hbm>>
      tpu.enqueue_indirect_dma source(%dma_start3A_313 : memref<400x128xf32, #tpu.memory_space<hbm>>) target(%arg11 : memref<64x128xf32, #tpu.memory_space<vmem>>) offsets(%dma_start3A_310 : memref<64xi32, #tpu.memory_space<vmem>>) semaphore(%arg16 : memref<!tpu.dma_semaphore, #tpu.memory_space<semaphore_mem>>)
      %dma_wait3A_314 = arith.constant 0 : i32
      %dma_wait3A_315 = arith.constant 0 : i32
      %dma_wait3A_316 = tpu.memref_slice %arg5[%dma_wait3A_314, %dma_wait3A_315] : memref<400x128xf32, #tpu.memory_space<hbm>> -> memref<64x128xf32, #tpu.memory_space<hbm>>
      %dma_wait3A_317 = arith.constant 0 : i32
      %dma_wait3A_318 = arith.constant 0 : i32
      %dma_wait3A_319 = tpu.memref_slice %arg5[%dma_wait3A_317, %dma_wait3A_318] : memref<400x128xf32, #tpu.memory_space<hbm>> -> memref<64x128xf32, #tpu.memory_space<hbm>>
      tpu.wait_dma2 semaphore(%arg15 : memref<!tpu.dma_semaphore, #tpu.memory_space<semaphore_mem>>) src(%dma_wait3A_319 : memref<64x128xf32, #tpu.memory_space<hbm>>) dst(%arg10 : memref<64x128xf32, #tpu.memory_space<vmem>>)
      %sub3A_320 = arith.constant 1 : i32
      %sub3A_321 = arith.subi %add3A_301, %sub3A_320 : i32
      %dma_start3A_322 = arith.constant 0 : i32
      %dma_start3A_323 = tpu.memref_slice %arg7[%sub3A_321, %dma_start3A_322] : memref<100x64xi32, #tpu.memory_space<vmem>> -> memref<1x64xi32, #tpu.memory_space<vmem>>
      %dma_start3A_324 = tpu.memref_squeeze %dma_start3A_323 : memref<1x64xi32, #tpu.memory_space<vmem>> -> memref<64xi32, #tpu.memory_space<vmem>>
      %dma_start3A_325 = arith.constant 0 : i32
      %dma_start3A_326 = arith.constant 0 : i32
      %dma_start3A_327 = tpu.memref_slice %arg4[%dma_start3A_325, %dma_start3A_326] : memref<100000x128xf32, #tpu.memory_space<hbm>> -> memref<100000x128xf32, #tpu.memory_space<hbm>>
      tpu.enqueue_indirect_dma source(%dma_start3A_327 : memref<100000x128xf32, #tpu.memory_space<hbm>>) target(%arg10 : memref<64x128xf32, #tpu.memory_space<vmem>>) offsets(%dma_start3A_324 : memref<64xi32, #tpu.memory_space<vmem>>) semaphore(%arg15 : memref<!tpu.dma_semaphore, #tpu.memory_space<semaphore_mem>>) {add = true}
      %dma_wait3A_328 = arith.constant 0 : i32
      %dma_wait3A_329 = arith.constant 0 : i32
      %dma_wait3A_330 = tpu.memref_slice %arg5[%dma_wait3A_328, %dma_wait3A_329] : memref<400x128xf32, #tpu.memory_space<hbm>> -> memref<64x128xf32, #tpu.memory_space<hbm>>
      %dma_wait3A_331 = arith.constant 0 : i32
      %dma_wait3A_332 = arith.constant 0 : i32
      %dma_wait3A_333 = tpu.memref_slice %arg5[%dma_wait3A_331, %dma_wait3A_332] : memref<400x128xf32, #tpu.memory_space<hbm>> -> memref<64x128xf32, #tpu.memory_space<hbm>>
      tpu.wait_dma2 semaphore(%arg14 : memref<!tpu.dma_semaphore, #tpu.memory_space<semaphore_mem>>) src(%dma_wait3A_333 : memref<64x128xf32, #tpu.memory_space<hbm>>) dst(%arg9 : memref<64x128xf32, #tpu.memory_space<vmem>>)
      %sub3A_334 = arith.constant 2 : i32
      %sub3A_335 = arith.subi %add3A_301, %sub3A_334 : i32
      %add3A_336 = arith.addi %mul3A_2, %sub3A_335 : i32
      %mul3A_337 = arith.constant 64 : i32
      %mul3A_338 = arith.muli %add3A_336, %mul3A_337 : i32
      %dma_start3A_339 = arith.constant 0 : i32
      %dma_start3A_340 = tpu.memref_slice %arg6[%mul3A_338, %dma_start3A_339] : memref<204800x128xf32, #tpu.memory_space<hbm>> -> memref<64x128xf32, #tpu.memory_space<hbm>>
      %dma_start3A_341 = arith.constant 0 : i32
      %dma_start3A_342 = tpu.memref_slice %arg6[%mul3A_338, %dma_start3A_341] : memref<204800x128xf32, #tpu.memory_space<hbm>> -> memref<64x128xf32, #tpu.memory_space<hbm>>
      tpu.enqueue_dma source(%arg9 : memref<64x128xf32, #tpu.memory_space<vmem>>) target(%dma_start3A_342 : memref<64x128xf32, #tpu.memory_space<hbm>>) target_semaphore(%arg14 : memref<!tpu.dma_semaphore, #tpu.memory_space<semaphore_mem>>)
      %add3A_343 = arith.constant 3 : i32
      %add3A_344 = arith.addi %mul3A_214, %add3A_343 : i32
      %dma_wait3A_345 = arith.constant 0 : i32
      %dma_wait3A_346 = arith.constant 0 : i32
      %dma_wait3A_347 = tpu.memref_slice %arg6[%dma_wait3A_345, %dma_wait3A_346] : memref<204800x128xf32, #tpu.memory_space<hbm>> -> memref<64x128xf32, #tpu.memory_space<hbm>>
      %dma_wait3A_348 = arith.constant 0 : i32
      %dma_wait3A_349 = arith.constant 0 : i32
      %dma_wait3A_350 = tpu.memref_slice %arg6[%dma_wait3A_348, %dma_wait3A_349] : memref<204800x128xf32, #tpu.memory_space<hbm>> -> memref<64x128xf32, #tpu.memory_space<hbm>>
      tpu.wait_dma2 semaphore(%arg17 : memref<!tpu.dma_semaphore, #tpu.memory_space<semaphore_mem>>) src(%arg12 : memref<64x128xf32, #tpu.memory_space<vmem>>) dst(%dma_wait3A_350 : memref<64x128xf32, #tpu.memory_space<hbm>>)
      %dma_start3A_351 = arith.constant 0 : i32
      %dma_start3A_352 = tpu.memref_slice %arg8[%add3A_344, %dma_start3A_351] : memref<100x64xi32, #tpu.memory_space<vmem>> -> memref<1x64xi32, #tpu.memory_space<vmem>>
      %dma_start3A_353 = tpu.memref_squeeze %dma_start3A_352 : memref<1x64xi32, #tpu.memory_space<vmem>> -> memref<64xi32, #tpu.memory_space<vmem>>
      %dma_start3A_354 = arith.constant 0 : i32
      %dma_start3A_355 = arith.constant 0 : i32
      %dma_start3A_356 = tpu.memref_slice %arg5[%dma_start3A_354, %dma_start3A_355] : memref<400x128xf32, #tpu.memory_space<hbm>> -> memref<400x128xf32, #tpu.memory_space<hbm>>
      tpu.enqueue_indirect_dma source(%dma_start3A_356 : memref<400x128xf32, #tpu.memory_space<hbm>>) target(%arg12 : memref<64x128xf32, #tpu.memory_space<vmem>>) offsets(%dma_start3A_353 : memref<64xi32, #tpu.memory_space<vmem>>) semaphore(%arg17 : memref<!tpu.dma_semaphore, #tpu.memory_space<semaphore_mem>>)
      %dma_wait3A_357 = arith.constant 0 : i32
      %dma_wait3A_358 = arith.constant 0 : i32
      %dma_wait3A_359 = tpu.memref_slice %arg5[%dma_wait3A_357, %dma_wait3A_358] : memref<400x128xf32, #tpu.memory_space<hbm>> -> memref<64x128xf32, #tpu.memory_space<hbm>>
      %dma_wait3A_360 = arith.constant 0 : i32
      %dma_wait3A_361 = arith.constant 0 : i32
      %dma_wait3A_362 = tpu.memref_slice %arg5[%dma_wait3A_360, %dma_wait3A_361] : memref<400x128xf32, #tpu.memory_space<hbm>> -> memref<64x128xf32, #tpu.memory_space<hbm>>
      tpu.wait_dma2 semaphore(%arg16 : memref<!tpu.dma_semaphore, #tpu.memory_space<semaphore_mem>>) src(%dma_wait3A_362 : memref<64x128xf32, #tpu.memory_space<hbm>>) dst(%arg11 : memref<64x128xf32, #tpu.memory_space<vmem>>)
      %sub3A_363 = arith.constant 1 : i32
      %sub3A_364 = arith.subi %add3A_344, %sub3A_363 : i32
      %dma_start3A_365 = arith.constant 0 : i32
      %dma_start3A_366 = tpu.memref_slice %arg7[%sub3A_364, %dma_start3A_365] : memref<100x64xi32, #tpu.memory_space<vmem>> -> memref<1x64xi32, #tpu.memory_space<vmem>>
      %dma_start3A_367 = tpu.memref_squeeze %dma_start3A_366 : memref<1x64xi32, #tpu.memory_space<vmem>> -> memref<64xi32, #tpu.memory_space<vmem>>
      %dma_start3A_368 = arith.constant 0 : i32
      %dma_start3A_369 = arith.constant 0 : i32
      %dma_start3A_370 = tpu.memref_slice %arg4[%dma_start3A_368, %dma_start3A_369] : memref<100000x128xf32, #tpu.memory_space<hbm>> -> memref<100000x128xf32, #tpu.memory_space<hbm>>
      tpu.enqueue_indirect_dma source(%dma_start3A_370 : memref<100000x128xf32, #tpu.memory_space<hbm>>) target(%arg11 : memref<64x128xf32, #tpu.memory_space<vmem>>) offsets(%dma_start3A_367 : memref<64xi32, #tpu.memory_space<vmem>>) semaphore(%arg16 : memref<!tpu.dma_semaphore, #tpu.memory_space<semaphore_mem>>) {add = true}
      %dma_wait3A_371 = arith.constant 0 : i32
      %dma_wait3A_372 = arith.constant 0 : i32
      %dma_wait3A_373 = tpu.memref_slice %arg5[%dma_wait3A_371, %dma_wait3A_372] : memref<400x128xf32, #tpu.memory_space<hbm>> -> memref<64x128xf32, #tpu.memory_space<hbm>>
      %dma_wait3A_374 = arith.constant 0 : i32
      %dma_wait3A_375 = arith.constant 0 : i32
      %dma_wait3A_376 = tpu.memref_slice %arg5[%dma_wait3A_374, %dma_wait3A_375] : memref<400x128xf32, #tpu.memory_space<hbm>> -> memref<64x128xf32, #tpu.memory_space<hbm>>
      tpu.wait_dma2 semaphore(%arg15 : memref<!tpu.dma_semaphore, #tpu.memory_space<semaphore_mem>>) src(%dma_wait3A_376 : memref<64x128xf32, #tpu.memory_space<hbm>>) dst(%arg10 : memref<64x128xf32, #tpu.memory_space<vmem>>)
      %sub3A_377 = arith.constant 2 : i32
      %sub3A_378 = arith.subi %add3A_344, %sub3A_377 : i32
      %add3A_379 = arith.addi %mul3A_2, %sub3A_378 : i32
      %mul3A_380 = arith.constant 64 : i32
      %mul3A_381 = arith.muli %add3A_379, %mul3A_380 : i32
      %dma_start3A_382 = arith.constant 0 : i32
      %dma_start3A_383 = tpu.memref_slice %arg6[%mul3A_381, %dma_start3A_382] : memref<204800x128xf32, #tpu.memory_space<hbm>> -> memref<64x128xf32, #tpu.memory_space<hbm>>
      %dma_start3A_384 = arith.constant 0 : i32
      %dma_start3A_385 = tpu.memref_slice %arg6[%mul3A_381, %dma_start3A_384] : memref<204800x128xf32, #tpu.memory_space<hbm>> -> memref<64x128xf32, #tpu.memory_space<hbm>>
      tpu.enqueue_dma source(%arg10 : memref<64x128xf32, #tpu.memory_space<vmem>>) target(%dma_start3A_385 : memref<64x128xf32, #tpu.memory_space<hbm>>) target_semaphore(%arg15 : memref<!tpu.dma_semaphore, #tpu.memory_space<semaphore_mem>>)
      %add3A_386 = arith.constant 4 : i32
      %add3A_387 = arith.addi %mul3A_214, %add3A_386 : i32
      %dma_wait3A_388 = arith.constant 0 : i32
      %dma_wait3A_389 = arith.constant 0 : i32
      %dma_wait3A_390 = tpu.memref_slice %arg6[%dma_wait3A_388, %dma_wait3A_389] : memref<204800x128xf32, #tpu.memory_space<hbm>> -> memref<64x128xf32, #tpu.memory_space<hbm>>
      %dma_wait3A_391 = arith.constant 0 : i32
      %dma_wait3A_392 = arith.constant 0 : i32
      %dma_wait3A_393 = tpu.memref_slice %arg6[%dma_wait3A_391, %dma_wait3A_392] : memref<204800x128xf32, #tpu.memory_space<hbm>> -> memref<64x128xf32, #tpu.memory_space<hbm>>
      tpu.wait_dma2 semaphore(%arg18 : memref<!tpu.dma_semaphore, #tpu.memory_space<semaphore_mem>>) src(%arg13 : memref<64x128xf32, #tpu.memory_space<vmem>>) dst(%dma_wait3A_393 : memref<64x128xf32, #tpu.memory_space<hbm>>)
      %dma_start3A_394 = arith.constant 0 : i32
      %dma_start3A_395 = tpu.memref_slice %arg8[%add3A_387, %dma_start3A_394] : memref<100x64xi32, #tpu.memory_space<vmem>> -> memref<1x64xi32, #tpu.memory_space<vmem>>
      %dma_start3A_396 = tpu.memref_squeeze %dma_start3A_395 : memref<1x64xi32, #tpu.memory_space<vmem>> -> memref<64xi32, #tpu.memory_space<vmem>>
      %dma_start3A_397 = arith.constant 0 : i32
      %dma_start3A_398 = arith.constant 0 : i32
      %dma_start3A_399 = tpu.memref_slice %arg5[%dma_start3A_397, %dma_start3A_398] : memref<400x128xf32, #tpu.memory_space<hbm>> -> memref<400x128xf32, #tpu.memory_space<hbm>>
      tpu.enqueue_indirect_dma source(%dma_start3A_399 : memref<400x128xf32, #tpu.memory_space<hbm>>) target(%arg13 : memref<64x128xf32, #tpu.memory_space<vmem>>) offsets(%dma_start3A_396 : memref<64xi32, #tpu.memory_space<vmem>>) semaphore(%arg18 : memref<!tpu.dma_semaphore, #tpu.memory_space<semaphore_mem>>)
      %dma_wait3A_400 = arith.constant 0 : i32
      %dma_wait3A_401 = arith.constant 0 : i32
      %dma_wait3A_402 = tpu.memref_slice %arg5[%dma_wait3A_400, %dma_wait3A_401] : memref<400x128xf32, #tpu.memory_space<hbm>> -> memref<64x128xf32, #tpu.memory_space<hbm>>
      %dma_wait3A_403 = arith.constant 0 : i32
      %dma_wait3A_404 = arith.constant 0 : i32
      %dma_wait3A_405 = tpu.memref_slice %arg5[%dma_wait3A_403, %dma_wait3A_404] : memref<400x128xf32, #tpu.memory_space<hbm>> -> memref<64x128xf32, #tpu.memory_space<hbm>>
      tpu.wait_dma2 semaphore(%arg17 : memref<!tpu.dma_semaphore, #tpu.memory_space<semaphore_mem>>) src(%dma_wait3A_405 : memref<64x128xf32, #tpu.memory_space<hbm>>) dst(%arg12 : memref<64x128xf32, #tpu.memory_space<vmem>>)
      %sub3A_406 = arith.constant 1 : i32
      %sub3A_407 = arith.subi %add3A_387, %sub3A_406 : i32
      %dma_start3A_408 = arith.constant 0 : i32
      %dma_start3A_409 = tpu.memref_slice %arg7[%sub3A_407, %dma_start3A_408] : memref<100x64xi32, #tpu.memory_space<vmem>> -> memref<1x64xi32, #tpu.memory_space<vmem>>
      %dma_start3A_410 = tpu.memref_squeeze %dma_start3A_409 : memref<1x64xi32, #tpu.memory_space<vmem>> -> memref<64xi32, #tpu.memory_space<vmem>>
      %dma_start3A_411 = arith.constant 0 : i32
      %dma_start3A_412 = arith.constant 0 : i32
      %dma_start3A_413 = tpu.memref_slice %arg4[%dma_start3A_411, %dma_start3A_412] : memref<100000x128xf32, #tpu.memory_space<hbm>> -> memref<100000x128xf32, #tpu.memory_space<hbm>>
      tpu.enqueue_indirect_dma source(%dma_start3A_413 : memref<100000x128xf32, #tpu.memory_space<hbm>>) target(%arg12 : memref<64x128xf32, #tpu.memory_space<vmem>>) offsets(%dma_start3A_410 : memref<64xi32, #tpu.memory_space<vmem>>) semaphore(%arg17 : memref<!tpu.dma_semaphore, #tpu.memory_space<semaphore_mem>>) {add = true}
      %dma_wait3A_414 = arith.constant 0 : i32
      %dma_wait3A_415 = arith.constant 0 : i32
      %dma_wait3A_416 = tpu.memref_slice %arg5[%dma_wait3A_414, %dma_wait3A_415] : memref<400x128xf32, #tpu.memory_space<hbm>> -> memref<64x128xf32, #tpu.memory_space<hbm>>
      %dma_wait3A_417 = arith.constant 0 : i32
      %dma_wait3A_418 = arith.constant 0 : i32
      %dma_wait3A_419 = tpu.memref_slice %arg5[%dma_wait3A_417, %dma_wait3A_418] : memref<400x128xf32, #tpu.memory_space<hbm>> -> memref<64x128xf32, #tpu.memory_space<hbm>>
      tpu.wait_dma2 semaphore(%arg16 : memref<!tpu.dma_semaphore, #tpu.memory_space<semaphore_mem>>) src(%dma_wait3A_419 : memref<64x128xf32, #tpu.memory_space<hbm>>) dst(%arg11 : memref<64x128xf32, #tpu.memory_space<vmem>>)
      %sub3A_420 = arith.constant 2 : i32
      %sub3A_421 = arith.subi %add3A_387, %sub3A_420 : i32
      %add3A_422 = arith.addi %mul3A_2, %sub3A_421 : i32
      %mul3A_423 = arith.constant 64 : i32
      %mul3A_424 = arith.muli %add3A_422, %mul3A_423 : i32
      %dma_start3A_425 = arith.constant 0 : i32
      %dma_start3A_426 = tpu.memref_slice %arg6[%mul3A_424, %dma_start3A_425] : memref<204800x128xf32, #tpu.memory_space<hbm>> -> memref<64x128xf32, #tpu.memory_space<hbm>>
      %dma_start3A_427 = arith.constant 0 : i32
      %dma_start3A_428 = tpu.memref_slice %arg6[%mul3A_424, %dma_start3A_427] : memref<204800x128xf32, #tpu.memory_space<hbm>> -> memref<64x128xf32, #tpu.memory_space<hbm>>
      tpu.enqueue_dma source(%arg11 : memref<64x128xf32, #tpu.memory_space<vmem>>) target(%dma_start3A_428 : memref<64x128xf32, #tpu.memory_space<hbm>>) target_semaphore(%arg16 : memref<!tpu.dma_semaphore, #tpu.memory_space<semaphore_mem>>)
    }
    %scan3A_140 = arith.constant 19 : i32
    %dma_wait3A_141 = arith.constant 0 : i32
    %dma_wait3A_142 = arith.constant 0 : i32
    %dma_wait3A_143 = tpu.memref_slice %arg5[%dma_wait3A_141, %dma_wait3A_142] : memref<400x128xf32, #tpu.memory_space<hbm>> -> memref<64x128xf32, #tpu.memory_space<hbm>>
    %dma_wait3A_144 = arith.constant 0 : i32
    %dma_wait3A_145 = arith.constant 0 : i32
    %dma_wait3A_146 = tpu.memref_slice %arg5[%dma_wait3A_144, %dma_wait3A_145] : memref<400x128xf32, #tpu.memory_space<hbm>> -> memref<64x128xf32, #tpu.memory_space<hbm>>
    tpu.wait_dma2 semaphore(%arg18 : memref<!tpu.dma_semaphore, #tpu.memory_space<semaphore_mem>>) src(%dma_wait3A_146 : memref<64x128xf32, #tpu.memory_space<hbm>>) dst(%arg13 : memref<64x128xf32, #tpu.memory_space<vmem>>)
    %dma_start3A_147 = arith.constant 99 : i32
    %dma_start3A_148 = arith.constant 0 : i32
    %dma_start3A_149 = tpu.memref_slice %arg7[%dma_start3A_147, %dma_start3A_148] : memref<100x64xi32, #tpu.memory_space<vmem>> -> memref<1x64xi32, #tpu.memory_space<vmem>>
    %dma_start3A_150 = tpu.memref_squeeze %dma_start3A_149 : memref<1x64xi32, #tpu.memory_space<vmem>> -> memref<64xi32, #tpu.memory_space<vmem>>
    %dma_start3A_151 = arith.constant 0 : i32
    %dma_start3A_152 = arith.constant 0 : i32
    %dma_start3A_153 = tpu.memref_slice %arg4[%dma_start3A_151, %dma_start3A_152] : memref<100000x128xf32, #tpu.memory_space<hbm>> -> memref<100000x128xf32, #tpu.memory_space<hbm>>
    tpu.enqueue_indirect_dma source(%dma_start3A_153 : memref<100000x128xf32, #tpu.memory_space<hbm>>) target(%arg13 : memref<64x128xf32, #tpu.memory_space<vmem>>) offsets(%dma_start3A_150 : memref<64xi32, #tpu.memory_space<vmem>>) semaphore(%arg18 : memref<!tpu.dma_semaphore, #tpu.memory_space<semaphore_mem>>) {add = true}
    %dma_wait3A_154 = arith.constant 0 : i32
    %dma_wait3A_155 = arith.constant 0 : i32
    %dma_wait3A_156 = tpu.memref_slice %arg5[%dma_wait3A_154, %dma_wait3A_155] : memref<400x128xf32, #tpu.memory_space<hbm>> -> memref<64x128xf32, #tpu.memory_space<hbm>>
    %dma_wait3A_157 = arith.constant 0 : i32
    %dma_wait3A_158 = arith.constant 0 : i32
    %dma_wait3A_159 = tpu.memref_slice %arg5[%dma_wait3A_157, %dma_wait3A_158] : memref<400x128xf32, #tpu.memory_space<hbm>> -> memref<64x128xf32, #tpu.memory_space<hbm>>
    tpu.wait_dma2 semaphore(%arg17 : memref<!tpu.dma_semaphore, #tpu.memory_space<semaphore_mem>>) src(%dma_wait3A_159 : memref<64x128xf32, #tpu.memory_space<hbm>>) dst(%arg12 : memref<64x128xf32, #tpu.memory_space<vmem>>)
    %add3A_160 = arith.constant 98 : i32
    %add3A_161 = arith.addi %mul3A_2, %add3A_160 : i32
    %mul3A_162 = arith.constant 64 : i32
    %mul3A_163 = arith.muli %add3A_161, %mul3A_162 : i32
    %dma_start3A_164 = arith.constant 0 : i32
    %dma_start3A_165 = tpu.memref_slice %arg6[%mul3A_163, %dma_start3A_164] : memref<204800x128xf32, #tpu.memory_space<hbm>> -> memref<64x128xf32, #tpu.memory_space<hbm>>
    %dma_start3A_166 = arith.constant 0 : i32
    %dma_start3A_167 = tpu.memref_slice %arg6[%mul3A_163, %dma_start3A_166] : memref<204800x128xf32, #tpu.memory_space<hbm>> -> memref<64x128xf32, #tpu.memory_space<hbm>>
    tpu.enqueue_dma source(%arg12 : memref<64x128xf32, #tpu.memory_space<vmem>>) target(%dma_start3A_167 : memref<64x128xf32, #tpu.memory_space<hbm>>) target_semaphore(%arg17 : memref<!tpu.dma_semaphore, #tpu.memory_space<semaphore_mem>>)
    %dma_wait3A_168 = arith.constant 0 : i32
    %dma_wait3A_169 = arith.constant 0 : i32
    %dma_wait3A_170 = tpu.memref_slice %arg5[%dma_wait3A_168, %dma_wait3A_169] : memref<400x128xf32, #tpu.memory_space<hbm>> -> memref<64x128xf32, #tpu.memory_space<hbm>>
    %dma_wait3A_171 = arith.constant 0 : i32
    %dma_wait3A_172 = arith.constant 0 : i32
    %dma_wait3A_173 = tpu.memref_slice %arg5[%dma_wait3A_171, %dma_wait3A_172] : memref<400x128xf32, #tpu.memory_space<hbm>> -> memref<64x128xf32, #tpu.memory_space<hbm>>
    tpu.wait_dma2 semaphore(%arg18 : memref<!tpu.dma_semaphore, #tpu.memory_space<semaphore_mem>>) src(%dma_wait3A_173 : memref<64x128xf32, #tpu.memory_space<hbm>>) dst(%arg13 : memref<64x128xf32, #tpu.memory_space<vmem>>)
    %add3A_174 = arith.constant 99 : i32
    %add3A_175 = arith.addi %mul3A_2, %add3A_174 : i32
    %mul3A_176 = arith.constant 64 : i32
    %mul3A_177 = arith.muli %add3A_175, %mul3A_176 : i32
    %dma_start3A_178 = arith.constant 0 : i32
    %dma_start3A_179 = tpu.memref_slice %arg6[%mul3A_177, %dma_start3A_178] : memref<204800x128xf32, #tpu.memory_space<hbm>> -> memref<64x128xf32, #tpu.memory_space<hbm>>
    %dma_start3A_180 = arith.constant 0 : i32
    %dma_start3A_181 = tpu.memref_slice %arg6[%mul3A_177, %dma_start3A_180] : memref<204800x128xf32, #tpu.memory_space<hbm>> -> memref<64x128xf32, #tpu.memory_space<hbm>>
    tpu.enqueue_dma source(%arg13 : memref<64x128xf32, #tpu.memory_space<vmem>>) target(%dma_start3A_181 : memref<64x128xf32, #tpu.memory_space<hbm>>) target_semaphore(%arg18 : memref<!tpu.dma_semaphore, #tpu.memory_space<semaphore_mem>>)
    %dma_wait3A_182 = arith.constant 0 : i32
    %dma_wait3A_183 = arith.constant 0 : i32
    %dma_wait3A_184 = tpu.memref_slice %arg6[%dma_wait3A_182, %dma_wait3A_183] : memref<204800x128xf32, #tpu.memory_space<hbm>> -> memref<64x128xf32, #tpu.memory_space<hbm>>
    %dma_wait3A_185 = arith.constant 0 : i32
    %dma_wait3A_186 = arith.constant 0 : i32
    %dma_wait3A_187 = tpu.memref_slice %arg6[%dma_wait3A_185, %dma_wait3A_186] : memref<204800x128xf32, #tpu.memory_space<hbm>> -> memref<64x128xf32, #tpu.memory_space<hbm>>
    tpu.wait_dma2 semaphore(%arg14 : memref<!tpu.dma_semaphore, #tpu.memory_space<semaphore_mem>>) src(%arg9 : memref<64x128xf32, #tpu.memory_space<vmem>>) dst(%dma_wait3A_187 : memref<64x128xf32, #tpu.memory_space<hbm>>)
    %dma_wait3A_188 = arith.constant 0 : i32
    %dma_wait3A_189 = arith.constant 0 : i32
    %dma_wait3A_190 = tpu.memref_slice %arg6[%dma_wait3A_188, %dma_wait3A_189] : memref<204800x128xf32, #tpu.memory_space<hbm>> -> memref<64x128xf32, #tpu.memory_space<hbm>>
    %dma_wait3A_191 = arith.constant 0 : i32
    %dma_wait3A_192 = arith.constant 0 : i32
    %dma_wait3A_193 = tpu.memref_slice %arg6[%dma_wait3A_191, %dma_wait3A_192] : memref<204800x128xf32, #tpu.memory_space<hbm>> -> memref<64x128xf32, #tpu.memory_space<hbm>>
    tpu.wait_dma2 semaphore(%arg15 : memref<!tpu.dma_semaphore, #tpu.memory_space<semaphore_mem>>) src(%arg10 : memref<64x128xf32, #tpu.memory_space<vmem>>) dst(%dma_wait3A_193 : memref<64x128xf32, #tpu.memory_space<hbm>>)
    %dma_wait3A_194 = arith.constant 0 : i32
    %dma_wait3A_195 = arith.constant 0 : i32
    %dma_wait3A_196 = tpu.memref_slice %arg6[%dma_wait3A_194, %dma_wait3A_195] : memref<204800x128xf32, #tpu.memory_space<hbm>> -> memref<64x128xf32, #tpu.memory_space<hbm>>
    %dma_wait3A_197 = arith.constant 0 : i32
    %dma_wait3A_198 = arith.constant 0 : i32
    %dma_wait3A_199 = tpu.memref_slice %arg6[%dma_wait3A_197, %dma_wait3A_198] : memref<204800x128xf32, #tpu.memory_space<hbm>> -> memref<64x128xf32, #tpu.memory_space<hbm>>
    tpu.wait_dma2 semaphore(%arg16 : memref<!tpu.dma_semaphore, #tpu.memory_space<semaphore_mem>>) src(%arg11 : memref<64x128xf32, #tpu.memory_space<vmem>>) dst(%dma_wait3A_199 : memref<64x128xf32, #tpu.memory_space<hbm>>)
    %dma_wait3A_200 = arith.constant 0 : i32
    %dma_wait3A_201 = arith.constant 0 : i32
    %dma_wait3A_202 = tpu.memref_slice %arg6[%dma_wait3A_200, %dma_wait3A_201] : memref<204800x128xf32, #tpu.memory_space<hbm>> -> memref<64x128xf32, #tpu.memory_space<hbm>>
    %dma_wait3A_203 = arith.constant 0 : i32
    %dma_wait3A_204 = arith.constant 0 : i32
    %dma_wait3A_205 = tpu.memref_slice %arg6[%dma_wait3A_203, %dma_wait3A_204] : memref<204800x128xf32, #tpu.memory_space<hbm>> -> memref<64x128xf32, #tpu.memory_space<hbm>>
    tpu.wait_dma2 semaphore(%arg17 : memref<!tpu.dma_semaphore, #tpu.memory_space<semaphore_mem>>) src(%arg12 : memref<64x128xf32, #tpu.memory_space<vmem>>) dst(%dma_wait3A_205 : memref<64x128xf32, #tpu.memory_space<hbm>>)
    %dma_wait3A_206 = arith.constant 0 : i32
    %dma_wait3A_207 = arith.constant 0 : i32
    %dma_wait3A_208 = tpu.memref_slice %arg6[%dma_wait3A_206, %dma_wait3A_207] : memref<204800x128xf32, #tpu.memory_space<hbm>> -> memref<64x128xf32, #tpu.memory_space<hbm>>
    %dma_wait3A_209 = arith.constant 0 : i32
    %dma_wait3A_210 = arith.constant 0 : i32
    %dma_wait3A_211 = tpu.memref_slice %arg6[%dma_wait3A_209, %dma_wait3A_210] : memref<204800x128xf32, #tpu.memory_space<hbm>> -> memref<64x128xf32, #tpu.memory_space<hbm>>
    tpu.wait_dma2 semaphore(%arg18 : memref<!tpu.dma_semaphore, #tpu.memory_space<semaphore_mem>>) src(%arg13 : memref<64x128xf32, #tpu.memory_space<vmem>>) dst(%dma_wait3A_211 : memref<64x128xf32, #tpu.memory_space<hbm>>)
    return
  }
}

module attributes {stable_mosaic.version = 14 : i64} {
  func.func @_combo_body(%arg0: memref<2x128xf32, #tpu.memory_space<vmem>>, %arg1: memref<200x128xf32, #tpu.memory_space<vmem>>, %arg2: memref<400x128xf32, #tpu.memory_space<vmem>>) attributes {dimension_semantics = [], scalar_prefetch = 0 : i64, scratch_operands = 0 : i64, tpu.core_type = #tpu.core_type<tc>} {
    %get3A = arith.constant 0 : index
    %get3A_0 = arith.constant 0 : index
    %get3A_1 = vector.load %arg1[%get3A, %get3A_0] : memref<200x128xf32, #tpu.memory_space<vmem>>, vector<200x128xf32>
    %get3A_2 = arith.constant 0 : index
    %get3A_3 = arith.constant 0 : index
    %get3A_4 = vector.load %arg0[%get3A_2, %get3A_3] : memref<2x128xf32, #tpu.memory_space<vmem>>, vector<1x128xf32>
    %add3A = vector.broadcast %get3A_4 : vector<1x128xf32> to vector<200x128xf32>
    %add3A_5 = arith.addf %get3A_1, %add3A : vector<200x128xf32>
    %swap3A = arith.constant 0 : index
    %swap3A_6 = arith.constant 0 : index
    %swap3A_7 = vector.load %arg2[%swap3A, %swap3A_6] : memref<400x128xf32, #tpu.memory_space<vmem>>, vector<200x128xf32>
    tpu.vector_store %arg2[%swap3A, %swap3A_6], %add3A_5 {strides = array<i32>} : memref<400x128xf32, #tpu.memory_space<vmem>>, vector<200x128xf32>,
    %get3A_8 = arith.constant 0 : index
    %get3A_9 = arith.constant 0 : index
    %get3A_10 = vector.load %arg1[%get3A_8, %get3A_9] : memref<200x128xf32, #tpu.memory_space<vmem>>, vector<200x128xf32>
    %get3A_11 = arith.constant 1 : index
    %get3A_12 = arith.constant 0 : index
    %get3A_13 = vector.load %arg0[%get3A_11, %get3A_12] : memref<2x128xf32, #tpu.memory_space<vmem>>, vector<1x128xf32>
    %add3A_14 = vector.broadcast %get3A_13 : vector<1x128xf32> to vector<200x128xf32>
    %add3A_15 = arith.addf %get3A_10, %add3A_14 : vector<200x128xf32>
    %swap3A_16 = arith.constant 200 : index
    %swap3A_17 = arith.constant 0 : index
    %swap3A_18 = vector.load %arg2[%swap3A_16, %swap3A_17] : memref<400x128xf32, #tpu.memory_space<vmem>>, vector<200x128xf32>
    tpu.vector_store %arg2[%swap3A_16, %swap3A_17], %add3A_15 {strides = array<i32>} : memref<400x128xf32, #tpu.memory_space<vmem>>, vector<200x128xf32>,
    return
  }
}

</mosaic_0001>

<sc_bundles>
// kernel: kernel.4.cloned.1.call-start
scs
__scs_entry_jumppad:
0x0: {  	(pc) =	sbr.rel $0x88, $3  }
0x1: {  	(tag) =	ssettag $0x0;
	lr =	simm.s32 $0x1  }
0x2: {  	[smem:$0x3F9C] =	sst lr;
	_ =	strace $0xD0000000  }
0x3: {  	_ = 	snop  }
0x4: {  	_ = 	snop  }
0x5: {  	_ = 	snop  }
0x6: {  	_ = 	snop  }
0x7: {  	_ = 	snop  }
__scs_overlays_trampoline_lowered:
0x8: {  	[smem:$0x3FAB] =	sst s0  }
0x9: {  	[smem:$0x3FAC] =	sst s1  }
0xa: {  	[smem:$0x3FAD] =	sst s2  }
0xb: {  	[smem:$0x3FAE] =	sst s3  }
0xc: {  	[smem:$0x3FAF] =	sst s4  }
0xd: {  	[smem:$0x3FB0] =	sst s5  }
0xe: {  	[smem:$0x3FB1] =	sst s6  }
0xf: {  	[smem:$0x3FB2] =	sst s7  }
0x10: {  	[smem:$0x3FB3] =	sst s8  }
0x11: {  	[smem:$0x3FB4] =	sst s9;
	s0 =	simm.s32 @!p0 $0x0  }
0x12: {  	s1 =	sld [smem:$0x3F9A];
	s0 =	simm.s32 @p0 $0x1  }
0x13: {  	[smem:$0x3FB5] =	sst s0;
	s0 =	simm.s32 @!p1 $0x0  }
0x14: {  	s2 =	sld [smem:$0x3F99];
	s0 =	simm.s32 @p1 $0x1  }
0x15: {  	[smem:$0x3FB6] =	sst s0;
	s0 =	simm.s32 @!p2 $0x0  }
0x16: {  	s3 =	sld [smem:$0x3FDB];
	s0 =	simm.s32 @p2 $0x1  }
0x17: {  	s4 =	simm.s32 $0x1BF5;
	[smem:$0x3FB8] =	sst s0  }
0x18: {  	s0 =	sld [smem:$0x3F9B];
	_ =	swait.ge [sflag:s4], $0x0  }
0x19: {  	s7 =	sld [smem:$0x3F9C]  }
0x1a: {  	s8 =	sadd.s32 $0xFFFFE003, lr  }
0x1b: {  	s9 =	sadd.s32 $0xFFFFFEF7, lr;
	s5 =	simm.s32 $0xFFFFFFFF;
	p2 =	slt.u32 s8, $0xFFFFF086  }
0x1c: {  	p1 =	slt.u32 s9, $0xF7A;
	s5 =	simm.s32 @!p2 $0x0  }
0x1d: {  	s5 =	simm.s32 @p1 $0x1;
	p0 =	seq.s32 s7, s2  }
0x1e: {  	s7 =	smul.u32 @!p0 $0xF7A, s2;
	p2 =	seq.s32 @!p0 s5, $0x0  }
0x1f: {  	s9 =	smul.u32 $0xF7A, s1;
	s8 =	simm.s32 @!p0 $0x1BF5;
	p2 =	por !p2, p0  }
0x20: {  	[sflag:s8] =	ssyncset.s32 @!p0 $0xFFFFF086;
	s6 =	sadd.s32 @!p0 s3, s7;
	s7 =	simm.s32 @!p0 $0x108  }
0x21: {  	s3 =	sadd.s32 s3, s9;
	s6 =	sadd.s32 @!p0 $0x88, s6;
	s7 =	simm.s32 @p2 $0x1082  }
0x22: {  	[simem:s7], [sflag:s8] =	dma.local @!p0 [hbm:s6], $0xF7A  }
0x23: {  	s9 =	sor.u32 $0xD0000000, s2;
	s6 =	simm.s32 $0x108;
	_ =	swait.ge @!p0 [sflag:s8], $0x0  }
0x24: {  	s3 =	sadd.s32 $0x88, s3;
	s6 =	simm.s32 @!p1 $0x1082;
	[sflag:s4] =	ssyncset.s32 $0xFFFFF086  }
0x25: {  	[simem:s6], [sflag:s4] =	dma.local [hbm:s3], $0xF7A  }
0x26: {  	[smem:$0x3F9C] =	sst s1;
	(tag) =	ssettag s2;
	_ =	strace s9  }
0x27: {  	s1 =	sld [smem:$0x3FAC]  }
0x28: {  	s2 =	sld [smem:$0x3FAD]  }
0x29: {  	s4 =	sld [smem:$0x3FAF]  }
0x2a: {  	p0 =	seq.s32 s5, $0x0;
	s5 =	sld [smem:$0x3FB0]  }
0x2b: {  	s6 =	sld [smem:$0x3FB1]  }
0x2c: {  	s7 =	sld [smem:$0x3FB2]  }
0x2d: {  	s3 =	simm.s32 $0x108;
	s8 =	sld [smem:$0x3FB3]  }
0x2e: {  	s3 =	simm.s32 @!p0 $0x1082;
	s9 =	sld [smem:$0x3FB4]  }
0x2f: {  	lr =	sadd.s32 s0, s3;
	s0 =	sld [smem:$0x3FAB]  }
0x30: {  	s3 =	sld [smem:$0x3FAE]  }
0x31: {  	[smem:$0x3FB7] =	sst s10  }
0x32: {  	s10 =	sld [smem:$0x3FB5];
	_ =	sdelay $0x3  }
0x33: {  	p0 =	seq.s32 s10, $0x1;
	s10 =	sld [smem:$0x3FB7];
	_ =	sdelay $0x3  }
0x34: {  	[smem:$0x3FB7] =	sst s10  }
0x35: {  	s10 =	sld [smem:$0x3FB6];
	_ =	sdelay $0x3  }
0x36: {  	p1 =	seq.s32 s10, $0x1;
	s10 =	sld [smem:$0x3FB7];
	_ =	sdelay $0x3  }
0x37: {  	[smem:$0x3FB7] =	sst s10  }
0x38: {  	s10 =	sld [smem:$0x3FB8]  }
0x39: {  	_ = 	snop;
	(pc) =	sbr.ind lr, $3  }
0x3a: {  	_ = 	snop  }
0x3b: {  	_ = 	snop  }
0x3c: {  	p2 =	seq.s32 s10, $0x1;
	s10 =	sld [smem:$0x3FB7]  }
0x3d: {  	_ =	shalt  }
0x3e: {  	_ =	shalt  }
0x3f: {  	_ =	shalt  }
0x40: {  	_ =	shalt  }
0x41: {  	_ =	shalt  }
0x42: {  	_ =	shalt  }
0x43: {  	_ =	shalt  }
0x44: {  	_ =	shalt  }
0x45: {  	_ =	shalt  }
0x46: {  	_ =	shalt  }
0x47: {  	_ =	shalt  }
0x48: {  	_ =	shalt  }
0x49: {  	_ =	shalt  }
0x4a: {  	_ =	shalt  }
0x4b: {  	_ =	shalt  }
0x4c: {  	_ =	shalt  }
0x4d: {  	_ =	shalt  }
0x4e: {  	_ =	shalt  }
0x4f: {  	_ =	shalt  }
0x50: {  	_ =	shalt  }
0x51: {  	_ =	shalt  }
0x52: {  	_ =	shalt  }
0x53: {  	_ =	shalt  }
0x54: {  	_ =	shalt  }
0x55: {  	_ =	shalt  }
0x56: {  	_ =	shalt  }
0x57: {  	_ =	shalt  }
0x58: {  	_ =	shalt  }
0x59: {  	_ =	shalt  }
0x5a: {  	_ =	shalt  }
0x5b: {  	_ =	shalt  }
0x5c: {  	_ =	shalt  }
0x5d: {  	_ =	shalt  }
0x5e: {  	_ =	shalt  }
0x5f: {  	_ =	shalt  }
0x60: {  	_ =	shalt  }
0x61: {  	_ =	shalt  }
0x62: {  	_ =	shalt  }
0x63: {  	_ =	shalt  }
0x64: {  	_ =	shalt  }
0x65: {  	_ =	shalt  }
0x66: {  	_ =	shalt  }
0x67: {  	_ =	shalt  }
0x68: {  	_ =	shalt  }
0x69: {  	_ =	shalt  }
0x6a: {  	_ =	shalt  }
0x6b: {  	_ =	shalt  }
0x6c: {  	_ =	shalt  }
0x6d: {  	_ =	shalt  }
0x6e: {  	_ =	shalt  }
0x6f: {  	_ =	shalt  }
0x70: {  	_ =	shalt  }
0x71: {  	_ =	shalt  }
0x72: {  	_ =	shalt  }
0x73: {  	_ =	shalt  }
0x74: {  	_ =	shalt  }
0x75: {  	_ =	shalt  }
0x76: {  	_ =	shalt  }
0x77: {  	_ =	shalt  }
0x78: {  	_ =	shalt  }
0x79: {  	_ =	shalt  }
0x7a: {  	_ =	shalt  }
0x7b: {  	_ =	shalt  }
0x7c: {  	_ =	shalt  }
0x7d: {  	_ =	shalt  }
0x7e: {  	_ =	shalt  }
0x7f: {  	_ =	shalt  }
0x80: {  	_ =	shalt  }
0x81: {  	_ =	shalt  }
0x82: {  	_ =	shalt  }
0x83: {  	_ =	shalt  }
0x84: {  	_ =	shalt  }
0x85: {  	_ =	shalt  }
0x86: {  	_ =	shalt  }
0x87: {  	_ =	shalt  }
.Lfunc_end0:
.L_simem_size_0:
called_computation_lowered:
.L_overlay_start_0:
0x88: {  	s2 =	sld [smem:$0x3FD9]  }
0x89: {  	s3 =	sld [smem:$0x3FFE];
	_ =	sdelay $0x1  }
0x8a: {  	s1 =	srdreg.scid  }
0x8b: {  	s0 =	sand.u32 $0x1, s1  }
0x8c: {  	s17 =	sshll.u32 s0, $0xA;
	s2 =	sadd.s32 s3, s2  }
0x8d: {  	s2 =	sadd.s32 s2, s17  }
0x8e: {  	[smem:$0x3FC3] =	sst s2  }
0x8f: {  	_ = 	snop  }
0x90: {  	s2 =	sld [smem:$0x3FC7]  }
0x91: {  	s18 =	sld [smem:$0x3FD0];
	(tm) =	ssettm $0x1  }
0x92: {  	s4 =	sld [smem:$0x3FFB];
	_ =	sdelay $0x3  }
0x93: {  	_ =	strace s4  }
0x94: {  	s4 =	sld [smem:$0x3FFC];
	_ =	sdelay $0x3  }
0x95: {  	_ =	strace s4  }
0x96: {  	s4 =	sld [smem:$0x3FFD];
	_ =	sdelay $0x3  }
0x97: {  	_ =	strace s4  }
0x98: {  	_ =	strace $0x8FFFFFFF  }
0x99: {  	s19 =	sld [smem:$0x3FDB];
	_ =	sdelay $0x1  }
0x9a: {  	s5 =	simm.s32 $_scs_section_size  }
0x9b: {  	s6 =	simm.s32 $_size__tile_overlayer_lowered;
	s7 =	simm.s32 $_tile_overlayer_lowered  }
0x9c: {  	s22 =	simm.s32 $0x1BFF;
	s21 =	sshll.u32 s7, $0x1;
	s4 =	sadd.s32 s5, s19  }
0x9d: {  	s8 =	simm.s32 $0x0;
	s20 =	sshll.u32 s6, $0x1;
	s6 =	sadd.s32 s21, s4  }
0x9e: {  	[timem:s8], [sflag:s22] =	dma.local [hbm:s6], s20  }
0x9f: {  	_ =	swait.ge [sflag:s22], s20  }
0xa0: {  	s5 =	ssub.s32 $0x0, s20;
	[sflag:s22] =	ssyncset.done $0x0  }
0xa1: {  	[sflag:s22] =	ssyncadd.s32 s5;
	_ =	sdelay $0x1  }
0xa2: {  	s23 =	simm.s32 $0x1B8B  }
0xa3: {  	_ =	swait.ge [sflag:s23], $0x1  }
0xa4: {  	[sflag:s23] =	ssyncset.done $0x0  }
0xa5: {  	s25 =	simm.s32 $0x1B8E;
	s24 =	sld [smem:$0x3FFE];
	[sflag:s23] =	ssyncadd.s32 $0xFFFFFFFF  }
0xa6: {  	s26 =	simm.s32 $execute0_lowered;
	[smem:$0x3FD2] =	sst s25  }
0xa7: {  	s6 =	sshll.u32 s26, $0x1;
	_ =	strace $0x80000046;
	[dreg:$0x1] =	wrdreg $0xFFFFFFFF  }
0xa8: {  	s28 =	simm.s32 $_size_execute0_lowered;
	s4 =	sadd.s32 s4, s6;
	[dreg:$0x0] =	wrdreg $0x0  }
0xa9: {  	s6 =	sshll.u32 s28, $0x1;
	[dreg:$0x2] =	wrdreg s4  }
0xaa: {  	[dreg:$0x3] =	wrdreg s6  }
0xab: {  	[dreg:$0x4] =	wrdreg $0xC0  }
0xac: {  	_ =	task [dreg:s8], $0x5FFFF  }
0xad: {  	[dreg:$0x1] =	wrdreg $0xFFFFFFFF  }
0xae: {  	[dreg:$0x0] =	wrdreg $0x60  }
0xaf: {  	[dreg:$0x2] =	wrdreg s24  }
0xb0: {  	[dreg:$0x3] =	wrdreg s2  }
0xb1: {  	[dreg:$0x4] =	wrdreg s18  }
0xb2: {  	[dreg:$0x5] =	wrdreg $0x9  }
0xb3: {  	_ =	task.clear_ibuf [dreg:s8], $0x6FFFF;
	_ =	strace $0x90000046  }
0xb4: {  	s29 =	simm.s32 $0x9;
	_ =	strace $0x80000048  }
0xb5: {  	_ =	swait.ge [sflag:s29], $0x1  }
0xb6: {  	[sflag:s29] =	ssyncadd.s32 $0xFFFFFFFF  }
0xb7: {  	_ =	strace $0x90000048  }
0xb8: {  	_ =	sfence  }
0xb9: {  	s30 =	sld [smem:$0x0];
	_ =	sdelay $0x2  }
0xba: {  	s31 =	sshll.u32 s1, $0xD;
	s1 =	sshrl.u32 s1, $0x2  }
0xbb: {  	s3 =	sand.u32 $0x4000, s31;
	s1 =	sadd.s32 s1, s30  }
0xbc: {  	s0 =	sor.u32 s3, s0;
	s1 =	sshll.u32 s1, $0x11  }
0xbd: {  	s0 =	sor.u32 s1, s0  }
0xbe: {  	s0 =	sadd.s32 $0x8F2B, s0  }
0xbf: {  	[sflag:s0] =	ssyncadd.remote.s32 $0x1  }
0xc0: {  	_ =	sfence.sel $0xFFFF  }
0xc1: {  	[dreg:$0x0] =	wrdreg $0xFFFFFFFF;
	(pc) =	sbr.abs _section_cstart, $3  }
0xc2: {  	[dreg:$0x1] =	wrdreg $0xFFFFFFFF  }
0xc3: {  	_ =	task.clear_ibuf [dreg:s8], $0x2FFFF;
	_ =	strace $0x9FFFFFFF  }
0xc4: {  	(tm) =	ssettm $0x7FFFFFFF  }
0xc5: {  	_ =	shalt  }
tec
execute0_lowered:
.L_overlay_start_1:
0x0: {  	(tag) =	ssettag $0x1  }
0x1: {  	s0 =	rddreg [dreg:$0x0]  }
0x2: {  	s2 =	rddreg [dreg:$0x1]  }
0x3: {  	s1 =	srdreg.scid;
	s12 =	stileid.u32  }
0x4: {  	s3 =	rddreg [dreg:$0x2];
	s4 =	simm.s32 $0x0;
	s16 =	simm.s32 $0x6  }
0x5: {  	s17 =	simm.s32 $0x3400;
	s18 =	simm.s32 $0x40;
	s19 =	simm.s32 $0x6800  }
0x6: {  	s21 =	simm.s32 $0x8800;
	s22 =	simm.s32 $0x1;
	s11 =	smul.u32 $0xC8, s12  }
0x7: {  	s29 =	simm.s32 $0xC800;
	s1 =	sand.u32 $0x1, s1;
	s26 =	smul.u32 $0x3200, s12  }
0x8: {  	s30 =	simm.s32 $0x3;
	s5 =	sshll.u32 s12, $0x1;
	s25 =	smul.u32 $0x64, s1  }
0x9: {  	s6 =	sor.u32 s1, s5;
	s8 =	ssub.s32 $0x2, s1;
	s1 =	smul.u32 $0x1900, s1  }
0xa: {  	s20 =	simm.s32 $0x4;
	[smem:$0x7FF] =	sst s4;
	s5 =	smul.u32 $0x680, s6  }
0xb: {  	s31 =	simm.s32 $0x0;
	_ =	strace $0x80000047;
	s9 =	smul.u32 $0x19000, s6  }
0xc: {  	s23 =	sshrl.u32 s8, $0x1;
	s6 =	smul.u32 $0xC8000, s6;
	s15 =	sadd.s32 s1, s26  }
0xd: {  	s26 =	simm.s32 $0x5;
	s7 =	sadd.s32 s5, s0;
	s5 =	sadd.s32 $0x1AA00, s0  }
0xe: {  	s0 =	ssub.s32 s8, s23;
	s8 =	sadd.s32 s3, s9;
	s6 =	sshrl.u32 s6, $0x3  }
0xf: {  	s24 =	sadd.s32 $0xA00, s7;
	s7 =	sadd.s32 $0xDA00, s7;
	s9 =	sadd.s32 $0x400, s8  }
0x10: {  	s10 =	sadd.s32 $0x800, s8;
	s6 =	sadd.s32 s3, s6;
	[dreg:$0x5] =	wrdreg s24  }
0x11: {  	s14 =	smax.u32 s0, $0x1;
	[dreg:$0x6] =	wrdreg s7;
	s7 =	sadd.s32 s25, s11  }
0x12: {  	s0 =	simm.s32 $0xE800;
	[dreg:$0x7] =	wrdreg s9;
	s12 =	sshll.u32 s7, $0xA  }
0x13: {  	s11 =	sadd.s32 $0x18800, s6;
	s13 =	sadd.s32 $0x18C00, s6;
	s28 =	sadd.s32 $0x1000, s12  }
0x14: {  	v0 =	vlaneseq.u32;
	s24 =	simm.s32 $0xA800;
	s25 =	simm.s32 $0x2;
	[dreg:$0x4] =	wrdreg s28  }
.LBB2_1:
0x15: {  	s1 =	rddreg [dreg:$0x5]  }
0x16: {  	[tilespmem:s4], [sflag:$0x6] =	stream.linear.gather [hbm4b:s1+s4], $0x3200, $0x38;
	[tilespmem:$0x10800] =	vst v63  }
0x17: {  	_ =	swait.ge [sflag:s16], $0x3200  }
0x18: {  	[sflag:s16] =	ssyncset.done $0x0  }
0x19: {  	s9 =	rddreg [dreg:$0x6];
	[sflag:s16] =	ssyncadd.s32 $0xFFFFCE00  }
0x1a: {  	[tilespmem:s17], [sflag:$0x6] =	stream.linear.gather [hbm4b:s9+s4], $0x3200, $0x38;
	[tilespmem:$0x10800] =	vst v63  }
0x1b: {  	_ =	swait.ge [sflag:s16], $0x3200  }
0x1c: {  	[sflag:s16] =	ssyncset.done $0x0  }
0x1d: {  	s6 =	sadd.s32 $0x0, s15;
	s1 =	simm.s32 $0x3420;
	[sflag:s16] =	ssyncadd.s32 $0xFFFFCE00  }
0x1e: {  	v2 =	vor.u32 s6, v0;
	v3 =	vld [tilespmem:s1+$0xFFFFFFE0]  }
0x1f: {  	s7 =	sadd.s32 $0x20, s6;
	v1 =	vmulhi.u32 $0x51EB851F, v2  }
0x20: {  	s23 =	sadd.s32 $0x30, s6;
	v4 =	vor.u32 s7, v0;
	v5 =	vld [tilespmem:s1+$0x0]  }
0x21: {  	v7 =	vor.u32 s23, v0;
	v6 =	vmulhi.u32 $0x51EB851F, v4;
	v1 =	vshrl.u32 v1, $0x6;
	v8 =	vld [tilespmem:s1+$0x10]  }
0x22: {  	s6 =	sadd.s32 $0x10, s6;
	v9 =	vmulhi.u32 $0x51EB851F, v7;
	v10 =	vmul.u32 $0xC8, v1  }
0x23: {  	v6 =	vshrl.u32 v6, $0x6;
	v1 =	vor.u32 s6, v0;
	v3 =	vmul.u32 $0xC8, v3  }
0x24: {  	v9 =	vshrl.u32 v9, $0x6;
	v6 =	vmul.u32 $0xC8, v6;
	v2 =	vsub.s32 v2, v10;
	v11 =	vld [tilespmem:s1+$0xFFFFFFF0]  }
0x25: {  	v9 =	vmul.u32 $0xC8, v9;
	v5 =	vmul.u32 $0xC8, v5;
	v2 =	vadd.s32 v2, v3  }
0x26: {  	v3 =	vsub.s32 v4, v6;
	v4 =	vmulhi.u32 $0x51EB851F, v1;
	v6 =	vmul.u32 $0xC8, v8  }
0x27: {  	[tilespmem:s1+$0xFFFFFFE0] =	vst v2;
	v2 =	vadd.s32 v3, v5;
	v3 =	vsub.s32 v7, v9  }
0x28: {  	s28 =	sadd.s32 $0x40, s15;
	s23 =	simm.s32 $0x34A0;
	[tilespmem:s1+$0x0] =	vst v2;
	v2 =	vshrl.u32 v4, $0x6;
	v6 =	vadd.s32 v3, v6  }
0x29: {  	s7 =	sadd.s32 $0x10, s28;
	s9 =	sadd.s32 $0x20, s28;
	s6 =	simm.s32 $0x80;
	v4 =	vmul.u32 $0xC8, v11;
	v3 =	vld [tilespmem:s23+$0xFFFFFFE0];
	v5 =	vmul.u32 $0xC8, v2;
	v2 =	vor.u32 s28, v0;
	[tilespmem:s1+$0x10] =	vst v6  }
.LBB2_2:
0x2a: {  	p0 =	sne.s32 s6, $0x18C0;
	v6 =	vmulhi.u32 $0x51EB851F, v2;
	v7 =	vor.u32 s7, v0;
	v8 =	vor.u32 s9, v0;
	v9 =	vld [tilespmem:s23+$0x0];
	s7 =	sadd.s32 $0x30, s28  }
0x2b: {  	v5 =	vsub.s32 v1, v5;
	v10 =	vmulhi.u32 $0x51EB851F, v8;
	v11 =	vor.u32 s7, v0;
	v12 =	vld [tilespmem:s23+$0x10];
	v1 =	vmovc v7  }
0x2c: {  	v4 =	vadd.s32 v5, v4;
	v6 =	vshrl.u32 v6, $0x6;
	v7 =	vld [tilespmem:s23+$0xFFFFFFF0];
	v13 =	vmulhi.u32 $0x51EB851F, v11  }
0x2d: {  	v5 =	vmul.u32 $0xC8, v6;
	v6 =	vmulhi.u32 $0x51EB851F, v1;
	v10 =	vshrl.u32 v10, $0x6;
	[tilespmem:s1+$0xFFFFFFF0] =	vst v4;
	s1 =	smov.u32 s23  }
0x2e: {  	v3 =	vmul.u32 $0xC8, v3;
	v4 =	vmul.u32 $0xC8, v10;
	v10 =	vshrl.u32 v13, $0x6  }
.Ltmp0:
0x2f: {  	v2 =	vsub.s32 v2, v5;
	v5 =	vmul.u32 $0xC8, v9;
	v9 =	vmul.u32 $0xC8, v10;
	(pc) =	sbr.rel @p0 .LBB2_2-.Ltmp0, $4  }
0x30: {  	v2 =	vadd.s32 v2, v3;
	v3 =	vsub.s32 v8, v4;
	v8 =	vmul.u32 $0xC8, v12  }
0x31: {  	[tilespmem:s23+$0xFFFFFFE0] =	vst v2;
	v2 =	vshrl.u32 v6, $0x6;
	v3 =	vadd.s32 v3, v5;
	v6 =	vsub.s32 v11, v9  }
0x32: {  	s28 =	sadd.s32 s6, s15;
	v4 =	vmul.u32 $0xC8, v7;
	s23 =	sadd.s32 $0x80, s23;
	v5 =	vmul.u32 $0xC8, v2;
	[tilespmem:s1+$0x0] =	vst v3;
	v6 =	vadd.s32 v6, v8  }
0x33: {  	s6 =	sadd.s32 $0x40, s6;
	s7 =	sadd.s32 $0x10, s28;
	s9 =	sadd.s32 $0x20, s28;
	v2 =	vor.u32 s28, v0;
	v3 =	vld [tilespmem:s23+$0xFFFFFFE0];
	[tilespmem:s1+$0x10] =	vst v6  }
0x34: {  	v6 =	vor.u32 s9, v0;
	v7 =	vmulhi.u32 $0x51EB851F, v2;
	v8 =	vld [tilespmem:s23+$0x0]  }
0x35: {  	s6 =	sadd.s32 $0x30, s28;
	v9 =	vor.u32 s7, v0;
	v1 =	vsub.s32 v1, v5;
	v10 =	vmulhi.u32 $0x51EB851F, v6  }
0x36: {  	v12 =	vld [tilespmem:s23+$0x10];
	v11 =	vor.u32 s6, v0;
	v1 =	vadd.s32 v1, v4;
	v56 =	vshrl.u32 v7, $0x6  }
0x37: {  	v13 =	vld [tilespmem:s23+$0xFFFFFFF0];
	v57 =	vmulhi.u32 $0x51EB851F, v11;
	v58 =	vmul.u32 $0xC8, v56;
	v59 =	vshrl.u32 v10, $0x6  }
0x38: {  	v60 =	vmulhi.u32 $0x51EB851F, v9;
	v3 =	vmul.u32 $0xC8, v3;
	v5 =	vmul.u32 $0xC8, v59  }
0x39: {  	v7 =	vshrl.u32 v57, $0x6;
	v2 =	vsub.s32 v2, v58;
	v61 =	vmul.u32 $0xC8, v8  }
0x3a: {  	v7 =	vmul.u32 $0xC8, v7;
	v2 =	vadd.s32 v2, v3;
	v3 =	vshrl.u32 v60, $0x6  }
0x3b: {  	[tilespmem:s1+$0xFFFFFFF0] =	vst v1;
	v62 =	vmul.u32 $0xC8, v12;
	v1 =	vsub.s32 v6, v5;
	v3 =	vmul.u32 $0xC8, v3  }
0x3c: {  	v63 =	vmul.u32 $0xC8, v13;
	[tilespmem:s23+$0xFFFFFFE0] =	vst v2;
	v1 =	vadd.s32 v1, v61;
	v2 =	vsub.s32 v11, v7  }
0x3d: {  	[tilespmem:s23+$0x0] =	vst v1;
	v1 =	vadd.s32 v2, v62;
	v2 =	vsub.s32 v9, v3  }
0x3e: {  	[tilespmem:s23+$0x10] =	vst v1;
	v1 =	vadd.s32 v2, v63  }
0x3f: {  	[tilespmem:s23+$0xFFFFFFF0] =	vst v1  }
0x40: {  	[tilespmem:s19], [sflag:$0x1] =	stream.indirect.gather [hbm4b:s5+s18], $0x80, s17, s18, $0xb8;
	[tilespmem:$0x10800] =	vst v63  }
0x41: {  	s7 =	simm.s32 $0x3480  }
0x42: {  	[tilespmem:s21], [sflag:$0x2] =	stream.indirect.gather [hbm4b:s5+s18], $0x80, s7, s18, $0xb8;
	[tilespmem:$0x10800] =	vst v63  }
0x43: {  	_ =	swait.ge [sflag:s22], $0x2000  }
0x44: {  	[sflag:s22] =	ssyncset.done $0x0  }
0x45: {  	s1 =	simm.s32 $0x0;
	[sflag:s22] =	ssyncadd.s32 $0xFFFFE000  }
0x46: {  	[tilespmem:s19], [sflag:$0x1] =	stream.indirect.gather.add.f32 [hbm:s2], $0x80, s1, s18, $0xb8;
	[tilespmem:$0x10800] =	vst v63  }
0x47: {  	s9 =	simm.s32 $0x3500  }
0x48: {  	[tilespmem:s24], [sflag:$0x3] =	stream.indirect.gather [hbm4b:s5+s18], $0x80, s9, s18, $0xb8;
	[tilespmem:$0x10800] =	vst v63  }
0x49: {  	_ =	swait.ge [sflag:s25], $0x2000  }
0x4a: {  	[sflag:s25] =	ssyncset.done $0x0  }
0x4b: {  	s23 =	simm.s32 $0x80;
	[sflag:s25] =	ssyncadd.s32 $0xFFFFE000  }
0x4c: {  	[tilespmem:s21], [sflag:$0x2] =	stream.indirect.gather.add.f32 [hbm:s2], $0x80, s23, s18, $0xb8;
	[tilespmem:$0x10800] =	vst v63  }
0x4d: {  	_ =	swait.ge [sflag:s22], $0x2000  }
0x4e: {  	[sflag:s22] =	ssyncset.done $0x0  }
0x4f: {  	[sflag:s22] =	ssyncadd.s32 $0xFFFFE000  }
0x50: {  	[hbm4b:s8+s1] =	stream.linear.scatter [tilespmem:s19], [sflag:$0x1], $0x2000, $0x38;
	[tilespmem:$0x10800] =	vst v63  }
0x51: {  	s28 =	simm.s32 $0x3580  }
0x52: {  	[tilespmem:s29], [sflag:$0x4] =	stream.indirect.gather [hbm4b:s5+s18], $0x80, s28, s18, $0xb8;
	[tilespmem:$0x10800] =	vst v63  }
0x53: {  	_ =	swait.ge [sflag:s30], $0x2000  }
0x54: {  	[sflag:s30] =	ssyncset.done $0x0  }
0x55: {  	s7 =	simm.s32 $0x100;
	[sflag:s30] =	ssyncadd.s32 $0xFFFFE000  }
0x56: {  	[tilespmem:s24], [sflag:$0x3] =	stream.indirect.gather.add.f32 [hbm:s2], $0x80, s7, s18, $0xb8;
	[tilespmem:$0x10800] =	vst v63  }
0x57: {  	_ =	swait.ge [sflag:s25], $0x2000  }
0x58: {  	[sflag:s25] =	ssyncset.done $0x0  }
0x59: {  	s9 =	rddreg [dreg:$0x7];
	[sflag:s25] =	ssyncadd.s32 $0xFFFFE000  }
0x5a: {  	[hbm4b:s9+s1] =	stream.linear.scatter [tilespmem:s21], [sflag:$0x2], $0x2000, $0x38;
	[tilespmem:$0x10800] =	vst v63  }
0x5b: {  	s23 =	simm.s32 $0x3600  }
0x5c: {  	[tilespmem:s0], [sflag:$0x5] =	stream.indirect.gather [hbm4b:s5+s18], $0x80, s23, s18, $0xb8;
	[tilespmem:$0x10800] =	vst v63  }
0x5d: {  	_ =	swait.ge [sflag:s20], $0x2000  }
0x5e: {  	[sflag:s20] =	ssyncset.done $0x0  }
0x5f: {  	s28 =	simm.s32 $0x180;
	[sflag:s20] =	ssyncadd.s32 $0xFFFFE000  }
0x60: {  	[tilespmem:s29], [sflag:$0x4] =	stream.indirect.gather.add.f32 [hbm:s2], $0x80, s28, s18, $0xb8;
	[tilespmem:$0x10800] =	vst v63  }
0x61: {  	_ =	swait.ge [sflag:s30], $0x2000  }
0x62: {  	[sflag:s30] =	ssyncset.done $0x0  }
0x63: {  	[sflag:s30] =	ssyncadd.s32 $0xFFFFE000  }
0x64: {  	[hbm4b:s10+s1] =	stream.linear.scatter [tilespmem:s24], [sflag:$0x3], $0x2000, $0x38;
	[tilespmem:$0x10800] =	vst v63  }
0x65: {  	_ =	swait.ge [sflag:s22], $0x2000  }
0x66: {  	[sflag:s22] =	ssyncset.done $0x0  }
0x67: {  	s6 =	simm.s32 $0x3680;
	[sflag:s22] =	ssyncadd.s32 $0xFFFFE000  }
0x68: {  	[tilespmem:s19], [sflag:$0x1] =	stream.indirect.gather [hbm4b:s5+s18], $0x80, s6, s18, $0xb8;
	[tilespmem:$0x10800] =	vst v63  }
0x69: {  	_ =	swait.ge [sflag:s26], $0x2000  }
0x6a: {  	[sflag:s26] =	ssyncset.done $0x0  }
0x6b: {  	s7 =	simm.s32 $0x200;
	[sflag:s26] =	ssyncadd.s32 $0xFFFFE000  }
0x6c: {  	[tilespmem:s0], [sflag:$0x5] =	stream.indirect.gather.add.f32 [hbm:s2], $0x80, s7, s18, $0xb8;
	[tilespmem:$0x10800] =	vst v63  }
0x6d: {  	_ =	swait.ge [sflag:s20], $0x2000  }
0x6e: {  	s1 =	sadd.s32 s3, s12;
	[sflag:s20] =	ssyncset.done $0x0  }
0x6f: {  	s9 =	sadd.s32 $0xC00, s1;
	[sflag:s20] =	ssyncadd.s32 $0xFFFFE000  }
0x70: {  	[hbm4b:s9+s4] =	stream.linear.scatter [tilespmem:s29], [sflag:$0x4], $0x2000, $0x38;
	[tilespmem:$0x10800] =	vst v63  }
0x71: {  	_ =	swait.ge [sflag:s25], $0x2000  }
0x72: {  	[sflag:s25] =	ssyncset.done $0x0  }
0x73: {  	s23 =	simm.s32 $0x3700;
	[sflag:s25] =	ssyncadd.s32 $0xFFFFE000  }
0x74: {  	[tilespmem:s21], [sflag:$0x2] =	stream.indirect.gather [hbm4b:s5+s18], $0x80, s23, s18, $0xb8;
	[tilespmem:$0x10800] =	vst v63  }
0x75: {  	_ =	swait.ge [sflag:s22], $0x2000  }
0x76: {  	[sflag:s22] =	ssyncset.done $0x0  }
0x77: {  	s28 =	simm.s32 $0x280;
	[sflag:s22] =	ssyncadd.s32 $0xFFFFE000  }
0x78: {  	[tilespmem:s19], [sflag:$0x1] =	stream.indirect.gather.add.f32 [hbm:s2], $0x80, s28, s18, $0xb8;
	[tilespmem:$0x10800] =	vst v63  }
0x79: {  	_ =	swait.ge [sflag:s26], $0x2000  }
0x7a: {  	s7 =	rddreg [dreg:$0x4];
	[sflag:s26] =	ssyncset.done $0x0  }
0x7b: {  	[sflag:s26] =	ssyncadd.s32 $0xFFFFE000;
	s6 =	sadd.s32 s3, s7  }
0x7c: {  	[hbm4b:s6+s4] =	stream.linear.scatter [tilespmem:s0], [sflag:$0x5], $0x2000, $0x38;
	[tilespmem:$0x10800] =	vst v63  }
0x7d: {  	_ =	swait.ge [sflag:s30], $0x2000  }
0x7e: {  	[sflag:s30] =	ssyncset.done $0x0  }
0x7f: {  	s9 =	simm.s32 $0x3780;
	[sflag:s30] =	ssyncadd.s32 $0xFFFFE000  }
0x80: {  	[tilespmem:s24], [sflag:$0x3] =	stream.indirect.gather [hbm4b:s5+s18], $0x80, s9, s18, $0xb8;
	[tilespmem:$0x10800] =	vst v63  }
0x81: {  	_ =	swait.ge [sflag:s25], $0x2000  }
0x82: {  	[sflag:s25] =	ssyncset.done $0x0  }
0x83: {  	s23 =	simm.s32 $0x300;
	[sflag:s25] =	ssyncadd.s32 $0xFFFFE000  }
0x84: {  	[tilespmem:s21], [sflag:$0x2] =	stream.indirect.gather.add.f32 [hbm:s2], $0x80, s23, s18, $0xb8;
	[tilespmem:$0x10800] =	vst v63  }
0x85: {  	_ =	swait.ge [sflag:s22], $0x2000  }
0x86: {  	[sflag:s22] =	ssyncset.done $0x0  }
0x87: {  	s1 =	sadd.s32 $0x1400, s1;
	[sflag:s22] =	ssyncadd.s32 $0xFFFFE000  }
0x88: {  	[hbm4b:s1+s4] =	stream.linear.scatter [tilespmem:s19], [sflag:$0x1], $0x2000, $0x38;
	[tilespmem:$0x10800] =	vst v63  }
0x89: {  	_ =	swait.ge [sflag:s20], $0x2000  }
0x8a: {  	[sflag:s20] =	ssyncset.done $0x0  }
0x8b: {  	s28 =	simm.s32 $0x3800;
	[sflag:s20] =	ssyncadd.s32 $0xFFFFE000  }
0x8c: {  	[tilespmem:s29], [sflag:$0x4] =	stream.indirect.gather [hbm4b:s5+s18], $0x80, s28, s18, $0xb8;
	[tilespmem:$0x10800] =	vst v63  }
0x8d: {  	_ =	swait.ge [sflag:s30], $0x2000  }
0x8e: {  	[sflag:s30] =	ssyncset.done $0x0  }
0x8f: {  	s7 =	simm.s32 $0x380;
	[sflag:s30] =	ssyncadd.s32 $0xFFFFE000  }
0x90: {  	[tilespmem:s24], [sflag:$0x3] =	stream.indirect.gather.add.f32 [hbm:s2], $0x80, s7, s18, $0xb8;
	[tilespmem:$0x10800] =	vst v63  }
0x91: {  	_ =	swait.ge [sflag:s25], $0x2000  }
0x92: {  	[sflag:s25] =	ssyncset.done $0x0  }
0x93: {  	s9 =	sadd.s32 $0x800, s6;
	[sflag:s25] =	ssyncadd.s32 $0xFFFFE000  }
0x94: {  	[hbm4b:s9+s4] =	stream.linear.scatter [tilespmem:s21], [sflag:$0x2], $0x2000, $0x38;
	[tilespmem:$0x10800] =	vst v63  }
0x95: {  	_ =	swait.ge [sflag:s26], $0x2000  }
0x96: {  	[sflag:s26] =	ssyncset.done $0x0  }
0x97: {  	s23 =	simm.s32 $0x3880;
	[sflag:s26] =	ssyncadd.s32 $0xFFFFE000  }
0x98: {  	[tilespmem:s0], [sflag:$0x5] =	stream.indirect.gather [hbm4b:s5+s18], $0x80, s23, s18, $0xb8;
	[tilespmem:$0x10800] =	vst v63  }
0x99: {  	_ =	swait.ge [sflag:s20], $0x2000  }
0x9a: {  	[sflag:s20] =	ssyncset.done $0x0  }
0x9b: {  	s28 =	simm.s32 $0x400;
	[sflag:s20] =	ssyncadd.s32 $0xFFFFE000  }
0x9c: {  	[tilespmem:s29], [sflag:$0x4] =	stream.indirect.gather.add.f32 [hbm:s2], $0x80, s28, s18, $0xb8;
	[tilespmem:$0x10800] =	vst v63  }
0x9d: {  	_ =	swait.ge [sflag:s30], $0x2000  }
0x9e: {  	s6 =	sadd.s32 $0xC00, s6;
	[sflag:s30] =	ssyncset.done $0x0  }
0x9f: {  	s1 =	simm.s32 $0xA00;
	s23 =	sadd.s32 $0x1400, s3;
	[sflag:s30] =	ssyncadd.s32 $0xFFFFE000  }
.LBB2_4:
0xa0: {  	[hbm4b:s6+s4] =	stream.linear.scatter [tilespmem:s24], [sflag:$0x3], $0x2000, $0x38;
	[tilespmem:$0x10800] =	vst v63  }
0xa1: {  	s28 =	smov.u32 s1;
	_ =	swait.ge [sflag:s22], $0x2000  }
0xa2: {  	s28 =	sshra.s32 s28, $0x2;
	[sflag:s22] =	ssyncset.done $0x0  }
0xa3: {  	s6 =	sadd.s32 $0x3680, s28;
	[sflag:s22] =	ssyncadd.s32 $0xFFFFE000  }
0xa4: {  	[tilespmem:s19], [sflag:$0x1] =	stream.indirect.gather [hbm4b:s5+s18], $0x80, s6, s18, $0xb8;
	[tilespmem:$0x10800] =	vst v63  }
0xa5: {  	_ =	swait.ge [sflag:s26], $0x2000  }
0xa6: {  	[sflag:s26] =	ssyncset.done $0x0  }
0xa7: {  	s7 =	sadd.s32 $0x200, s28;
	[sflag:s26] =	ssyncadd.s32 $0xFFFFE000  }
0xa8: {  	[tilespmem:s0], [sflag:$0x5] =	stream.indirect.gather.add.f32 [hbm:s2], $0x80, s7, s18, $0xb8;
	[tilespmem:$0x10800] =	vst v63  }
0xa9: {  	_ =	swait.ge [sflag:s20], $0x2000  }
0xaa: {  	s7 =	sadd.s32 s23, s12;
	[sflag:s20] =	ssyncset.done $0x0  }
0xab: {  	s9 =	sadd.s32 $0xC00, s7;
	[sflag:s20] =	ssyncadd.s32 $0xFFFFE000  }
0xac: {  	[hbm4b:s9+s4] =	stream.linear.scatter [tilespmem:s29], [sflag:$0x4], $0x2000, $0x38;
	[tilespmem:$0x10800] =	vst v63  }
0xad: {  	_ =	swait.ge [sflag:s25], $0x2000  }
0xae: {  	[sflag:s25] =	ssyncset.done $0x0  }
0xaf: {  	s9 =	sadd.s32 $0x3700, s28;
	[sflag:s25] =	ssyncadd.s32 $0xFFFFE000  }
0xb0: {  	[tilespmem:s21], [sflag:$0x2] =	stream.indirect.gather [hbm4b:s5+s18], $0x80, s9, s18, $0xb8;
	[tilespmem:$0x10800] =	vst v63  }
0xb1: {  	_ =	swait.ge [sflag:s22], $0x2000  }
0xb2: {  	[sflag:s22] =	ssyncset.done $0x0  }
0xb3: {  	s9 =	sadd.s32 $0x280, s28;
	[sflag:s22] =	ssyncadd.s32 $0xFFFFE000  }
0xb4: {  	[tilespmem:s19], [sflag:$0x1] =	stream.indirect.gather.add.f32 [hbm:s2], $0x80, s9, s18, $0xb8;
	[tilespmem:$0x10800] =	vst v63  }
0xb5: {  	_ =	swait.ge [sflag:s26], $0x2000  }
0xb6: {  	s9 =	rddreg [dreg:$0x4];
	[sflag:s26] =	ssyncset.done $0x0  }
0xb7: {  	[sflag:s26] =	ssyncadd.s32 $0xFFFFE000;
	s6 =	sadd.s32 s23, s9  }
0xb8: {  	[hbm4b:s6+s4] =	stream.linear.scatter [tilespmem:s0], [sflag:$0x5], $0x2000, $0x38;
	[tilespmem:$0x10800] =	vst v63  }
0xb9: {  	_ =	swait.ge [sflag:s30], $0x2000  }
0xba: {  	[sflag:s30] =	ssyncset.done $0x0  }
0xbb: {  	s9 =	sadd.s32 $0x3780, s28;
	[sflag:s30] =	ssyncadd.s32 $0xFFFFE000  }
0xbc: {  	[tilespmem:s24], [sflag:$0x3] =	stream.indirect.gather [hbm4b:s5+s18], $0x80, s9, s18, $0xb8;
	[tilespmem:$0x10800] =	vst v63  }
0xbd: {  	_ =	swait.ge [sflag:s25], $0x2000  }
0xbe: {  	[sflag:s25] =	ssyncset.done $0x0  }
0xbf: {  	s9 =	sadd.s32 $0x300, s28;
	[sflag:s25] =	ssyncadd.s32 $0xFFFFE000  }
0xc0: {  	[tilespmem:s21], [sflag:$0x2] =	stream.indirect.gather.add.f32 [hbm:s2], $0x80, s9, s18, $0xb8;
	[tilespmem:$0x10800] =	vst v63  }
0xc1: {  	_ =	swait.ge [sflag:s22], $0x2000  }
0xc2: {  	[sflag:s22] =	ssyncset.done $0x0  }
0xc3: {  	s7 =	sadd.s32 $0x1400, s7;
	[sflag:s22] =	ssyncadd.s32 $0xFFFFE000  }
0xc4: {  	[hbm4b:s7+s4] =	stream.linear.scatter [tilespmem:s19], [sflag:$0x1], $0x2000, $0x38;
	[tilespmem:$0x10800] =	vst v63  }
0xc5: {  	_ =	swait.ge [sflag:s20], $0x2000  }
0xc6: {  	[sflag:s20] =	ssyncset.done $0x0  }
0xc7: {  	s9 =	sadd.s32 $0x3800, s28;
	[sflag:s20] =	ssyncadd.s32 $0xFFFFE000  }
0xc8: {  	[tilespmem:s29], [sflag:$0x4] =	stream.indirect.gather [hbm4b:s5+s18], $0x80, s9, s18, $0xb8;
	[tilespmem:$0x10800] =	vst v63  }
0xc9: {  	_ =	swait.ge [sflag:s30], $0x2000  }
0xca: {  	[sflag:s30] =	ssyncset.done $0x0  }
0xcb: {  	s9 =	sadd.s32 $0x380, s28;
	[sflag:s30] =	ssyncadd.s32 $0xFFFFE000  }
0xcc: {  	[tilespmem:s24], [sflag:$0x3] =	stream.indirect.gather.add.f32 [hbm:s2], $0x80, s9, s18, $0xb8;
	[tilespmem:$0x10800] =	vst v63  }
0xcd: {  	_ =	swait.ge [sflag:s25], $0x2000  }
0xce: {  	[sflag:s25] =	ssyncset.done $0x0  }
0xcf: {  	s9 =	sadd.s32 $0x800, s6;
	[sflag:s25] =	ssyncadd.s32 $0xFFFFE000  }
0xd0: {  	[hbm4b:s9+s4] =	stream.linear.scatter [tilespmem:s21], [sflag:$0x2], $0x2000, $0x38;
	[tilespmem:$0x10800] =	vst v63  }
0xd1: {  	_ =	swait.ge [sflag:s26], $0x2000  }
0xd2: {  	[sflag:s26] =	ssyncset.done $0x0  }
0xd3: {  	s9 =	sadd.s32 $0x3880, s28;
	[sflag:s26] =	ssyncadd.s32 $0xFFFFE000  }
0xd4: {  	[tilespmem:s0], [sflag:$0x5] =	stream.indirect.gather [hbm4b:s5+s18], $0x80, s9, s18, $0xb8;
	[tilespmem:$0x10800] =	vst v63  }
0xd5: {  	_ =	swait.ge [sflag:s20], $0x2000  }
0xd6: {  	p0 =	sne.s32 s1, $0xB400;
	[sflag:s20] =	ssyncset.done $0x0  }
.Ltmp1:
0xd7: {  	s28 =	sadd.s32 $0x400, s28;
	[sflag:s20] =	ssyncadd.s32 $0xFFFFE000;
	(pc) =	sbr.rel @p0 .LBB2_4-.Ltmp1, $4  }
0xd8: {  	[tilespmem:s29], [sflag:$0x4] =	stream.indirect.gather.add.f32 [hbm:s2], $0x80, s28, s18, $0xb8;
	[tilespmem:$0x10800] =	vst v63  }
0xd9: {  	_ =	swait.ge [sflag:s30], $0x2000  }
0xda: {  	s1 =	sadd.s32 $0xA00, s1;
	[sflag:s30] =	ssyncset.done $0x0  }
0xdb: {  	s23 =	sadd.s32 $0x1400, s23;
	s6 =	sadd.s32 $0xC00, s6;
	[sflag:s30] =	ssyncadd.s32 $0xFFFFE000  }
0xdc: {  	[hbm4b:s6+s4] =	stream.linear.scatter [tilespmem:s24], [sflag:$0x3], $0x2000, $0x38;
	[tilespmem:$0x10800] =	vst v63  }
0xdd: {  	_ =	swait.ge [sflag:s26], $0x2000  }
0xde: {  	[sflag:s26] =	ssyncset.done $0x0  }
0xdf: {  	s1 =	simm.s32 $0x3180;
	[sflag:s26] =	ssyncadd.s32 $0xFFFFE000  }
0xe0: {  	[tilespmem:s0], [sflag:$0x5] =	stream.indirect.gather.add.f32 [hbm:s2], $0x80, s1, s18, $0xb8;
	[tilespmem:$0x10800] =	vst v63  }
0xe1: {  	_ =	swait.ge [sflag:s20], $0x2000  }
0xe2: {  	[sflag:s20] =	ssyncset.done $0x0  }
0xe3: {  	[sflag:s20] =	ssyncadd.s32 $0xFFFFE000  }
0xe4: {  	[hbm4b:s11+s4] =	stream.linear.scatter [tilespmem:s29], [sflag:$0x4], $0x2000, $0x38;
	[tilespmem:$0x10800] =	vst v63  }
0xe5: {  	_ =	swait.ge [sflag:s26], $0x2000  }
0xe6: {  	[sflag:s26] =	ssyncset.done $0x0  }
0xe7: {  	[sflag:s26] =	ssyncadd.s32 $0xFFFFE000  }
0xe8: {  	[hbm4b:s13+s4] =	stream.linear.scatter [tilespmem:s0], [sflag:$0x5], $0x2000, $0x38;
	[tilespmem:$0x10800] =	vst v63  }
0xe9: {  	_ =	swait.ge [sflag:s22], $0x2000  }
0xea: {  	[sflag:s22] =	ssyncset.done $0x0  }
0xeb: {  	[sflag:s22] =	ssyncadd.s32 $0xFFFFE000  }
0xec: {  	_ =	swait.ge [sflag:s25], $0x2000  }
0xed: {  	[sflag:s25] =	ssyncset.done $0x0  }
0xee: {  	[sflag:s25] =	ssyncadd.s32 $0xFFFFE000  }
0xef: {  	_ =	swait.ge [sflag:s30], $0x2000  }
0xf0: {  	[sflag:s30] =	ssyncset.done $0x0  }
0xf1: {  	s31 =	sadd.s32 $0x1, s31;
	[sflag:s30] =	ssyncadd.s32 $0xFFFFE000  }
0xf2: {  	p0 =	sne.s32 s31, s14;
	_ =	swait.ge [sflag:s20], $0x2000  }
.Ltmp2:
0xf3: {  	[sflag:s20] =	ssyncset.done $0x0;
	(pc) =	sbr.rel @p0 .LBB2_1-.Ltmp2, $4  }
0xf4: {  	[sflag:s20] =	ssyncadd.s32 $0xFFFFE000  }
0xf5: {  	_ =	swait.ge [sflag:s26], $0x2000  }
0xf6: {  	[sflag:s26] =	ssyncset.done $0x0  }
0xf7: {  	[sflag:s26] =	ssyncadd.s32 $0xFFFFE000  }
0xf8: {  	_ =	sfence.sel $0x180000  }
0xf9: {  	[bflag:$0x0] =	sbarrier.arrive $0xFFFF  }
0xfa: {  	_ =	strace $0x90000047  }
0xfb: {  	s0 =	stileid.u32;
	[bflag:$0x2] =	sbarrier.arrive $0xFFFF  }
0xfc: {  	p0 =	sne.s32 s0, $0x0;
	s0 =	rddreg [dreg:$0x3]  }
0xfd: {  	s0 =	sadd.s32 @!p0 $0x100000, s0  }
0xfe: {  	[sflag:s0] =	ssyncadd.tile.s32 @!p0 $0x1;
	_ =	shalt  }
.Lfunc_end2:
_tile_overlayer_lowered:
.L_overlay_start_2:
0xff: {  	(tag) =	ssettag $0x2  }
0x100: {  	s0 =	rddreg [dreg:$0x0];
	s2 =	stileid.u32  }
0x101: {  	s1 =	rddreg [dreg:$0x1];
	p0 =	sne.s32 s2, $0x0  }
0x102: {  	s3 =	rddreg [dreg:$0x2];
	[bflag:$0x3] =	sbarrier.arrive $0xFFFF;
	s2 =	simm.s32 @!p0 $0x1C06  }
0x103: {  	[timem:s3], [sflag:s2] =	dma.local @!p0 [hbm:s0], s1  }
0x104: {  	s0 =	simm.s32 @!p0 $0x6  }
0x105: {  	_ =	swait.ge @!p0 [sflag:s0], s1  }
0x106: {  	s1 =	ssub.s32 @!p0 $0x0, s1;
	[sflag:s0] =	ssyncset.done @!p0 $0x0  }
0x107: {  	[sflag:s0] =	ssyncadd.s32 @!p0 s1  }
0x108: {  	[bflag:$0x3] =	sbarrier.arrive $0xFFFF  }
0x109: {  	_ =	shalt  }

</sc_bundles>
